<compile_context>
chip_gen: v7x
topology: tpu7x:2x2x1
jax: 0.10.2.dev20260603
libtpu: 0.0.44.dev20260713+nightly
codegen_flags: <defaults>
</compile_context>

<pallas_src>
import functools

import jax
import jax.numpy as jnp
from jax import lax
from jax.experimental import pallas as pl
from jax.experimental.pallas import tpu as pltpu
from jax.experimental.pallas import tpu_sc as plsc

N_CODES = 1024
DIM = 64
N_TOK = 64 * 576
BR = 6144
N_BLK = N_TOK // BR

SC_NC = 2
SC_NW = 32
B_PER_W = N_TOK // SC_NW
IDX_CH = 128
N_CH = B_PER_W // IDX_CH


B0 = 16


def _dist_argmin_body(xt_ref, c_ref, idx_ref, loss_ref):
    i = pl.program_id(0)
    c = c_ref[...]
    cn = jnp.sum(c * c, axis=1, keepdims=True)
    code_iota = lax.broadcasted_iota(
        jnp.int32, (N_CODES, 1), 0).astype(jnp.float32)

    @pl.when(i == 0)
    def _():
        loss_ref[0, 0] = 0.0

    for b in range(B0):
        xb = xt_ref[b]
        xn = jnp.sum(xb * xb, axis=0, keepdims=True)
        m2 = lax.dot_general(c, xb + xb, (((1,), (0,)), ((), ())),
                             preferred_element_type=jnp.float32)
        d = (xn + cn) - m2
        min_d = jnp.min(d, axis=0, keepdims=True)
        idxb = jnp.min(
            jnp.where(d == min_d, code_iota, jnp.float32(N_CODES)),
            axis=0, keepdims=True)
        idx_ref[pl.ds(b, 1), :] = idxb.astype(jnp.int32)
        loss_ref[0, 0] += jnp.sum(min_d)


def _dist_argmin(xt, codebook):
    return pl.pallas_call(
        _dist_argmin_body,
        grid=(64 // B0,),
        in_specs=[
            pl.BlockSpec((B0, DIM, 576), lambda i: (i, 0, 0)),
            pl.BlockSpec((N_CODES, DIM), lambda i: (0, 0)),
        ],
        out_specs=[
            pl.BlockSpec((B0, 576), lambda i: (i, 0)),
            pl.BlockSpec(memory_space=pltpu.SMEM),
        ],
        out_shape=[
            jax.ShapeDtypeStruct((64, 576), jnp.int32),
            jax.ShapeDtypeStruct((1, 1), jnp.float32),
        ],
        compiler_params=pltpu.CompilerParams(
            dimension_semantics=("arbitrary",)),
    )(xt, codebook)


def _sc_gather_body(cb_hbm, idx_hbm, out_hbm, idx_v, rows_v, sem):
    wid = lax.axis_index("s") * SC_NC + lax.axis_index("c")
    base = wid * B_PER_W
    pltpu.sync_copy(idx_hbm.at[pl.ds(base, B_PER_W)], idx_v)
    copies = [
        pltpu.async_copy(cb_hbm.at[idx_v.at[pl.ds(k * IDX_CH, IDX_CH)]],
                         rows_v.at[pl.ds(k * IDX_CH, IDX_CH)], sem)
        for k in range(N_CH)
    ]
    for cp in copies:
        cp.wait()
    pltpu.sync_copy(rows_v, out_hbm.at[pl.ds(base, B_PER_W)])


_sc_gather = functools.partial(
    pl.kernel,
    out_type=jax.ShapeDtypeStruct((N_TOK, DIM), jnp.float32),
    mesh=plsc.VectorSubcoreMesh(core_axis_name="c", subcore_axis_name="s"),
    scratch_types=[
        pltpu.VMEM((B_PER_W,), jnp.int32),
        pltpu.VMEM((B_PER_W, DIM), jnp.float32),
        pltpu.SemaphoreType.DMA,
    ],
    compiler_params=pltpu.CompilerParams(use_tc_tiling_on_sc=False),
)(_sc_gather_body)


def kernel(inputs, codebook, beta):
    xt = jnp.transpose(inputs, (0, 2, 1))
    idx2d, loss_sum = _dist_argmin(xt, codebook)
    idx = idx2d.reshape(-1)
    quantized = _sc_gather(codebook, idx)
    quantized_st = quantized.reshape(inputs.shape)
    mean_sq = loss_sum[0, 0] / jnp.float32(N_TOK * DIM)
    commitment_loss = mean_sq + beta * mean_sq
    return quantized_st, commitment_loss, idx

# --- scband reference (transcript-rebuilt; emitter-appended) ---
"""Pipeline reference for scband-vector-quantizer-59691455480151 (READ-ONLY COPY).

The authoritative reference and input builder live on the scoring server;
editing this copy changes nothing except your own understanding.
"""

import jax, jax.numpy as jnp
import numpy as np

NUM_EMBEDDINGS = 1024
EMBEDDING_DIM = 64

def setup_inputs(seed: int = 0) -> dict:
    key = jax.random.key(seed)
    k1, k2 = jax.random.split(key)
    inputs = jax.random.normal(k1, (64, 576, EMBEDDING_DIM), dtype=jnp.float32)
    # nn.Embedding weight initialized uniform(-1/K, 1/K)
    codebook = jax.random.uniform(k2, (NUM_EMBEDDINGS, EMBEDDING_DIM), dtype=jnp.float32,
                                  minval=-1.0 / NUM_EMBEDDINGS, maxval=1.0 / NUM_EMBEDDINGS)
    return {"inputs": inputs, "codebook": codebook, "beta": jnp.float32(0.01)}

def reference(inputs, codebook, beta=0.01):
    d = codebook.shape[1]
    flat = inputs.reshape(-1, d)
    distances = (jnp.sum(flat ** 2, axis=1, keepdims=True)
                 + jnp.sum(codebook ** 2, axis=1)
                 - 2.0 * jnp.matmul(flat, codebook.T))
    encoding_indices = jnp.argmin(distances, axis=1)
    quantized = jnp.take(codebook, encoding_indices, axis=0).reshape(inputs.shape)
    commitment_loss = (jnp.mean((jax.lax.stop_gradient(quantized) - inputs) ** 2)
                       + beta * jnp.mean((quantized - jax.lax.stop_gradient(inputs)) ** 2))
    quantized_st = inputs + jax.lax.stop_gradient(quantized - inputs)
    return quantized_st, commitment_loss, encoding_indices

if __name__ == "__main__":
    import jax
    _d = setup_inputs()
    print(jax.jit(kernel)(*tuple(_d.values())))

</pallas_src>

<mosaic_0001>
#map = affine_map<(d0, d1) -> (0, 0)>
#map1 = affine_map<(d0, d1) -> (0)>
module attributes {stable_mosaic.version = 14 : i64} {
  func.func @_sc_gather_body(%arg0: i32, %arg1: i32, %arg2: memref<1024x64xf32, #tpu.memory_space<hbm>>, %arg3: memref<36864xi32, #tpu.memory_space<hbm>>, %arg4: memref<36864x64xf32, #tpu.memory_space<hbm>>, %arg5: memref<1152xi32, #tpu.memory_space<vmem>>, %arg6: memref<1152x64xf32, #tpu.memory_space<vmem>>, %arg7: memref<!tpu.dma_semaphore, #tpu.memory_space<semaphore_mem>>) attributes {dimension_semantics = [#tpu.dimension_semantics<core_parallel>, #tpu.dimension_semantics<subcore_parallel>], iteration_bounds = array<i64: 2, 16>, scalar_prefetch = 0 : i64, scratch_operands = 3 : i64, tpu.core_type = #tpu.core_type<sc_vector_subcore>, window_params = [{transform_indices = #map}, {transform_indices = #map1}, {transform_indices = #map}]} {
    %mul3A = arith.constant 2 : i32
    %mul3A_0 = arith.muli %arg1, %mul3A : i32
    %add3A = arith.addi %mul3A_0, %arg0 : i32
    %mul3A_1 = arith.constant 1152 : i32
    %mul3A_2 = arith.muli %add3A, %mul3A_1 : i32
    "tpu.region"() ({
      %run_scoped3A = tpu.sem_alloc : memref<!tpu.dma_semaphore, #tpu.memory_space<semaphore_mem>>
      %dma_start3A_145 = tpu.memref_slice %arg3[%mul3A_2] : memref<36864xi32, #tpu.memory_space<hbm>> -> memref<1152xi32, #tpu.memory_space<hbm>>
      %dma_start3A_146 = tpu.memref_slice %arg3[%mul3A_2] : memref<36864xi32, #tpu.memory_space<hbm>> -> memref<1152xi32, #tpu.memory_space<hbm>>
      tpu.enqueue_dma source(%dma_start3A_146 : memref<1152xi32, #tpu.memory_space<hbm>>) target(%arg5 : memref<1152xi32, #tpu.memory_space<vmem>>) target_semaphore(%run_scoped3A : memref<!tpu.dma_semaphore, #tpu.memory_space<semaphore_mem>>)
      %dma_wait3A_147 = tpu.memref_slice %arg3[%mul3A_2] : memref<36864xi32, #tpu.memory_space<hbm>> -> memref<1152xi32, #tpu.memory_space<hbm>>
      %dma_wait3A_148 = tpu.memref_slice %arg3[%mul3A_2] : memref<36864xi32, #tpu.memory_space<hbm>> -> memref<1152xi32, #tpu.memory_space<hbm>>
      tpu.wait_dma2 semaphore(%run_scoped3A : memref<!tpu.dma_semaphore, #tpu.memory_space<semaphore_mem>>) src(%dma_wait3A_148 : memref<1152xi32, #tpu.memory_space<hbm>>) dst(%arg5 : memref<1152xi32, #tpu.memory_space<vmem>>)
      tpu.yield
    }) : () -> ()
    %dma_start3A = arith.constant 0 : i32
    %dma_start3A_3 = arith.constant 0 : i32
    %dma_start3A_4 = tpu.memref_slice %arg6[%dma_start3A, %dma_start3A_3] : memref<1152x64xf32, #tpu.memory_space<vmem>> -> memref<128x64xf32, #tpu.memory_space<vmem>>
    %dma_start3A_5 = arith.constant 0 : i32
    %dma_start3A_6 = tpu.memref_slice %arg5[%dma_start3A_5] : memref<1152xi32, #tpu.memory_space<vmem>> -> memref<128xi32, #tpu.memory_space<vmem>>
    %dma_start3A_7 = arith.constant 0 : i32
    %dma_start3A_8 = arith.constant 0 : i32
    %dma_start3A_9 = tpu.memref_slice %arg2[%dma_start3A_7, %dma_start3A_8] : memref<1024x64xf32, #tpu.memory_space<hbm>> -> memref<1024x64xf32, #tpu.memory_space<hbm>>
    tpu.enqueue_indirect_dma source(%dma_start3A_9 : memref<1024x64xf32, #tpu.memory_space<hbm>>) target(%dma_start3A_4 : memref<128x64xf32, #tpu.memory_space<vmem>>) offsets(%dma_start3A_6 : memref<128xi32, #tpu.memory_space<vmem>>) semaphore(%arg7 : memref<!tpu.dma_semaphore, #tpu.memory_space<semaphore_mem>>)
    %dma_start3A_10 = arith.constant 128 : i32
    %dma_start3A_11 = arith.constant 0 : i32
    %dma_start3A_12 = tpu.memref_slice %arg6[%dma_start3A_10, %dma_start3A_11] : memref<1152x64xf32, #tpu.memory_space<vmem>> -> memref<128x64xf32, #tpu.memory_space<vmem>>
    %dma_start3A_13 = arith.constant 128 : i32
    %dma_start3A_14 = tpu.memref_slice %arg5[%dma_start3A_13] : memref<1152xi32, #tpu.memory_space<vmem>> -> memref<128xi32, #tpu.memory_space<vmem>>
    %dma_start3A_15 = arith.constant 0 : i32
    %dma_start3A_16 = arith.constant 0 : i32
    %dma_start3A_17 = tpu.memref_slice %arg2[%dma_start3A_15, %dma_start3A_16] : memref<1024x64xf32, #tpu.memory_space<hbm>> -> memref<1024x64xf32, #tpu.memory_space<hbm>>
    tpu.enqueue_indirect_dma source(%dma_start3A_17 : memref<1024x64xf32, #tpu.memory_space<hbm>>) target(%dma_start3A_12 : memref<128x64xf32, #tpu.memory_space<vmem>>) offsets(%dma_start3A_14 : memref<128xi32, #tpu.memory_space<vmem>>) semaphore(%arg7 : memref<!tpu.dma_semaphore, #tpu.memory_space<semaphore_mem>>)
    %dma_start3A_18 = arith.constant 256 : i32
    %dma_start3A_19 = arith.constant 0 : i32
    %dma_start3A_20 = tpu.memref_slice %arg6[%dma_start3A_18, %dma_start3A_19] : memref<1152x64xf32, #tpu.memory_space<vmem>> -> memref<128x64xf32, #tpu.memory_space<vmem>>
    %dma_start3A_21 = arith.constant 256 : i32
    %dma_start3A_22 = tpu.memref_slice %arg5[%dma_start3A_21] : memref<1152xi32, #tpu.memory_space<vmem>> -> memref<128xi32, #tpu.memory_space<vmem>>
    %dma_start3A_23 = arith.constant 0 : i32
    %dma_start3A_24 = arith.constant 0 : i32
    %dma_start3A_25 = tpu.memref_slice %arg2[%dma_start3A_23, %dma_start3A_24] : memref<1024x64xf32, #tpu.memory_space<hbm>> -> memref<1024x64xf32, #tpu.memory_space<hbm>>
    tpu.enqueue_indirect_dma source(%dma_start3A_25 : memref<1024x64xf32, #tpu.memory_space<hbm>>) target(%dma_start3A_20 : memref<128x64xf32, #tpu.memory_space<vmem>>) offsets(%dma_start3A_22 : memref<128xi32, #tpu.memory_space<vmem>>) semaphore(%arg7 : memref<!tpu.dma_semaphore, #tpu.memory_space<semaphore_mem>>)
    %dma_start3A_26 = arith.constant 384 : i32
    %dma_start3A_27 = arith.constant 0 : i32
    %dma_start3A_28 = tpu.memref_slice %arg6[%dma_start3A_26, %dma_start3A_27] : memref<1152x64xf32, #tpu.memory_space<vmem>> -> memref<128x64xf32, #tpu.memory_space<vmem>>
    %dma_start3A_29 = arith.constant 384 : i32
    %dma_start3A_30 = tpu.memref_slice %arg5[%dma_start3A_29] : memref<1152xi32, #tpu.memory_space<vmem>> -> memref<128xi32, #tpu.memory_space<vmem>>
    %dma_start3A_31 = arith.constant 0 : i32
    %dma_start3A_32 = arith.constant 0 : i32
    %dma_start3A_33 = tpu.memref_slice %arg2[%dma_start3A_31, %dma_start3A_32] : memref<1024x64xf32, #tpu.memory_space<hbm>> -> memref<1024x64xf32, #tpu.memory_space<hbm>>
    tpu.enqueue_indirect_dma source(%dma_start3A_33 : memref<1024x64xf32, #tpu.memory_space<hbm>>) target(%dma_start3A_28 : memref<128x64xf32, #tpu.memory_space<vmem>>) offsets(%dma_start3A_30 : memref<128xi32, #tpu.memory_space<vmem>>) semaphore(%arg7 : memref<!tpu.dma_semaphore, #tpu.memory_space<semaphore_mem>>)
    %dma_start3A_34 = arith.constant 512 : i32
    %dma_start3A_35 = arith.constant 0 : i32
    %dma_start3A_36 = tpu.memref_slice %arg6[%dma_start3A_34, %dma_start3A_35] : memref<1152x64xf32, #tpu.memory_space<vmem>> -> memref<128x64xf32, #tpu.memory_space<vmem>>
    %dma_start3A_37 = arith.constant 512 : i32
    %dma_start3A_38 = tpu.memref_slice %arg5[%dma_start3A_37] : memref<1152xi32, #tpu.memory_space<vmem>> -> memref<128xi32, #tpu.memory_space<vmem>>
    %dma_start3A_39 = arith.constant 0 : i32
    %dma_start3A_40 = arith.constant 0 : i32
    %dma_start3A_41 = tpu.memref_slice %arg2[%dma_start3A_39, %dma_start3A_40] : memref<1024x64xf32, #tpu.memory_space<hbm>> -> memref<1024x64xf32, #tpu.memory_space<hbm>>
    tpu.enqueue_indirect_dma source(%dma_start3A_41 : memref<1024x64xf32, #tpu.memory_space<hbm>>) target(%dma_start3A_36 : memref<128x64xf32, #tpu.memory_space<vmem>>) offsets(%dma_start3A_38 : memref<128xi32, #tpu.memory_space<vmem>>) semaphore(%arg7 : memref<!tpu.dma_semaphore, #tpu.memory_space<semaphore_mem>>)
    %dma_start3A_42 = arith.constant 640 : i32
    %dma_start3A_43 = arith.constant 0 : i32
    %dma_start3A_44 = tpu.memref_slice %arg6[%dma_start3A_42, %dma_start3A_43] : memref<1152x64xf32, #tpu.memory_space<vmem>> -> memref<128x64xf32, #tpu.memory_space<vmem>>
    %dma_start3A_45 = arith.constant 640 : i32
    %dma_start3A_46 = tpu.memref_slice %arg5[%dma_start3A_45] : memref<1152xi32, #tpu.memory_space<vmem>> -> memref<128xi32, #tpu.memory_space<vmem>>
    %dma_start3A_47 = arith.constant 0 : i32
    %dma_start3A_48 = arith.constant 0 : i32
    %dma_start3A_49 = tpu.memref_slice %arg2[%dma_start3A_47, %dma_start3A_48] : memref<1024x64xf32, #tpu.memory_space<hbm>> -> memref<1024x64xf32, #tpu.memory_space<hbm>>
    tpu.enqueue_indirect_dma source(%dma_start3A_49 : memref<1024x64xf32, #tpu.memory_space<hbm>>) target(%dma_start3A_44 : memref<128x64xf32, #tpu.memory_space<vmem>>) offsets(%dma_start3A_46 : memref<128xi32, #tpu.memory_space<vmem>>) semaphore(%arg7 : memref<!tpu.dma_semaphore, #tpu.memory_space<semaphore_mem>>)
    %dma_start3A_50 = arith.constant 768 : i32
    %dma_start3A_51 = arith.constant 0 : i32
    %dma_start3A_52 = tpu.memref_slice %arg6[%dma_start3A_50, %dma_start3A_51] : memref<1152x64xf32, #tpu.memory_space<vmem>> -> memref<128x64xf32, #tpu.memory_space<vmem>>
    %dma_start3A_53 = arith.constant 768 : i32
    %dma_start3A_54 = tpu.memref_slice %arg5[%dma_start3A_53] : memref<1152xi32, #tpu.memory_space<vmem>> -> memref<128xi32, #tpu.memory_space<vmem>>
    %dma_start3A_55 = arith.constant 0 : i32
    %dma_start3A_56 = arith.constant 0 : i32
    %dma_start3A_57 = tpu.memref_slice %arg2[%dma_start3A_55, %dma_start3A_56] : memref<1024x64xf32, #tpu.memory_space<hbm>> -> memref<1024x64xf32, #tpu.memory_space<hbm>>
    tpu.enqueue_indirect_dma source(%dma_start3A_57 : memref<1024x64xf32, #tpu.memory_space<hbm>>) target(%dma_start3A_52 : memref<128x64xf32, #tpu.memory_space<vmem>>) offsets(%dma_start3A_54 : memref<128xi32, #tpu.memory_space<vmem>>) semaphore(%arg7 : memref<!tpu.dma_semaphore, #tpu.memory_space<semaphore_mem>>)
    %dma_start3A_58 = arith.constant 896 : i32
    %dma_start3A_59 = arith.constant 0 : i32
    %dma_start3A_60 = tpu.memref_slice %arg6[%dma_start3A_58, %dma_start3A_59] : memref<1152x64xf32, #tpu.memory_space<vmem>> -> memref<128x64xf32, #tpu.memory_space<vmem>>
    %dma_start3A_61 = arith.constant 896 : i32
    %dma_start3A_62 = tpu.memref_slice %arg5[%dma_start3A_61] : memref<1152xi32, #tpu.memory_space<vmem>> -> memref<128xi32, #tpu.memory_space<vmem>>
    %dma_start3A_63 = arith.constant 0 : i32
    %dma_start3A_64 = arith.constant 0 : i32
    %dma_start3A_65 = tpu.memref_slice %arg2[%dma_start3A_63, %dma_start3A_64] : memref<1024x64xf32, #tpu.memory_space<hbm>> -> memref<1024x64xf32, #tpu.memory_space<hbm>>
    tpu.enqueue_indirect_dma source(%dma_start3A_65 : memref<1024x64xf32, #tpu.memory_space<hbm>>) target(%dma_start3A_60 : memref<128x64xf32, #tpu.memory_space<vmem>>) offsets(%dma_start3A_62 : memref<128xi32, #tpu.memory_space<vmem>>) semaphore(%arg7 : memref<!tpu.dma_semaphore, #tpu.memory_space<semaphore_mem>>)
    %dma_start3A_66 = arith.constant 1024 : i32
    %dma_start3A_67 = arith.constant 0 : i32
    %dma_start3A_68 = tpu.memref_slice %arg6[%dma_start3A_66, %dma_start3A_67] : memref<1152x64xf32, #tpu.memory_space<vmem>> -> memref<128x64xf32, #tpu.memory_space<vmem>>
    %dma_start3A_69 = arith.constant 1024 : i32
    %dma_start3A_70 = tpu.memref_slice %arg5[%dma_start3A_69] : memref<1152xi32, #tpu.memory_space<vmem>> -> memref<128xi32, #tpu.memory_space<vmem>>
    %dma_start3A_71 = arith.constant 0 : i32
    %dma_start3A_72 = arith.constant 0 : i32
    %dma_start3A_73 = tpu.memref_slice %arg2[%dma_start3A_71, %dma_start3A_72] : memref<1024x64xf32, #tpu.memory_space<hbm>> -> memref<1024x64xf32, #tpu.memory_space<hbm>>
    tpu.enqueue_indirect_dma source(%dma_start3A_73 : memref<1024x64xf32, #tpu.memory_space<hbm>>) target(%dma_start3A_68 : memref<128x64xf32, #tpu.memory_space<vmem>>) offsets(%dma_start3A_70 : memref<128xi32, #tpu.memory_space<vmem>>) semaphore(%arg7 : memref<!tpu.dma_semaphore, #tpu.memory_space<semaphore_mem>>)
    %dma_wait3A = arith.constant 0 : i32
    %dma_wait3A_74 = arith.constant 0 : i32
    %dma_wait3A_75 = tpu.memref_slice %arg6[%dma_wait3A, %dma_wait3A_74] : memref<1152x64xf32, #tpu.memory_space<vmem>> -> memref<128x64xf32, #tpu.memory_space<vmem>>
    %dma_wait3A_76 = arith.constant 0 : i32
    %dma_wait3A_77 = tpu.memref_slice %arg5[%dma_wait3A_76] : memref<1152xi32, #tpu.memory_space<vmem>> -> memref<128xi32, #tpu.memory_space<vmem>>
    %dma_wait3A_78 = arith.constant 0 : i32
    %dma_wait3A_79 = arith.constant 0 : i32
    %dma_wait3A_80 = tpu.memref_slice %arg2[%dma_wait3A_78, %dma_wait3A_79] : memref<1024x64xf32, #tpu.memory_space<hbm>> -> memref<1024x64xf32, #tpu.memory_space<hbm>>
    tpu.wait_indirect_dma semaphore(%arg7 : memref<!tpu.dma_semaphore, #tpu.memory_space<semaphore_mem>>) src(%dma_wait3A_80 : memref<1024x64xf32, #tpu.memory_space<hbm>>) dst(%dma_wait3A_75 : memref<128x64xf32, #tpu.memory_space<vmem>>)
    %dma_wait3A_81 = arith.constant 128 : i32
    %dma_wait3A_82 = arith.constant 0 : i32
    %dma_wait3A_83 = tpu.memref_slice %arg6[%dma_wait3A_81, %dma_wait3A_82] : memref<1152x64xf32, #tpu.memory_space<vmem>> -> memref<128x64xf32, #tpu.memory_space<vmem>>
    %dma_wait3A_84 = arith.constant 128 : i32
    %dma_wait3A_85 = tpu.memref_slice %arg5[%dma_wait3A_84] : memref<1152xi32, #tpu.memory_space<vmem>> -> memref<128xi32, #tpu.memory_space<vmem>>
    %dma_wait3A_86 = arith.constant 0 : i32
    %dma_wait3A_87 = arith.constant 0 : i32
    %dma_wait3A_88 = tpu.memref_slice %arg2[%dma_wait3A_86, %dma_wait3A_87] : memref<1024x64xf32, #tpu.memory_space<hbm>> -> memref<1024x64xf32, #tpu.memory_space<hbm>>
    tpu.wait_indirect_dma semaphore(%arg7 : memref<!tpu.dma_semaphore, #tpu.memory_space<semaphore_mem>>) src(%dma_wait3A_88 : memref<1024x64xf32, #tpu.memory_space<hbm>>) dst(%dma_wait3A_83 : memref<128x64xf32, #tpu.memory_space<vmem>>)
    %dma_wait3A_89 = arith.constant 256 : i32
    %dma_wait3A_90 = arith.constant 0 : i32
    %dma_wait3A_91 = tpu.memref_slice %arg6[%dma_wait3A_89, %dma_wait3A_90] : memref<1152x64xf32, #tpu.memory_space<vmem>> -> memref<128x64xf32, #tpu.memory_space<vmem>>
    %dma_wait3A_92 = arith.constant 256 : i32
    %dma_wait3A_93 = tpu.memref_slice %arg5[%dma_wait3A_92] : memref<1152xi32, #tpu.memory_space<vmem>> -> memref<128xi32, #tpu.memory_space<vmem>>
    %dma_wait3A_94 = arith.constant 0 : i32
    %dma_wait3A_95 = arith.constant 0 : i32
    %dma_wait3A_96 = tpu.memref_slice %arg2[%dma_wait3A_94, %dma_wait3A_95] : memref<1024x64xf32, #tpu.memory_space<hbm>> -> memref<1024x64xf32, #tpu.memory_space<hbm>>
    tpu.wait_indirect_dma semaphore(%arg7 : memref<!tpu.dma_semaphore, #tpu.memory_space<semaphore_mem>>) src(%dma_wait3A_96 : memref<1024x64xf32, #tpu.memory_space<hbm>>) dst(%dma_wait3A_91 : memref<128x64xf32, #tpu.memory_space<vmem>>)
    %dma_wait3A_97 = arith.constant 384 : i32
    %dma_wait3A_98 = arith.constant 0 : i32
    %dma_wait3A_99 = tpu.memref_slice %arg6[%dma_wait3A_97, %dma_wait3A_98] : memref<1152x64xf32, #tpu.memory_space<vmem>> -> memref<128x64xf32, #tpu.memory_space<vmem>>
    %dma_wait3A_100 = arith.constant 384 : i32
    %dma_wait3A_101 = tpu.memref_slice %arg5[%dma_wait3A_100] : memref<1152xi32, #tpu.memory_space<vmem>> -> memref<128xi32, #tpu.memory_space<vmem>>
    %dma_wait3A_102 = arith.constant 0 : i32
    %dma_wait3A_103 = arith.constant 0 : i32
    %dma_wait3A_104 = tpu.memref_slice %arg2[%dma_wait3A_102, %dma_wait3A_103] : memref<1024x64xf32, #tpu.memory_space<hbm>> -> memref<1024x64xf32, #tpu.memory_space<hbm>>
    tpu.wait_indirect_dma semaphore(%arg7 : memref<!tpu.dma_semaphore, #tpu.memory_space<semaphore_mem>>) src(%dma_wait3A_104 : memref<1024x64xf32, #tpu.memory_space<hbm>>) dst(%dma_wait3A_99 : memref<128x64xf32, #tpu.memory_space<vmem>>)
    %dma_wait3A_105 = arith.constant 512 : i32
    %dma_wait3A_106 = arith.constant 0 : i32
    %dma_wait3A_107 = tpu.memref_slice %arg6[%dma_wait3A_105, %dma_wait3A_106] : memref<1152x64xf32, #tpu.memory_space<vmem>> -> memref<128x64xf32, #tpu.memory_space<vmem>>
    %dma_wait3A_108 = arith.constant 512 : i32
    %dma_wait3A_109 = tpu.memref_slice %arg5[%dma_wait3A_108] : memref<1152xi32, #tpu.memory_space<vmem>> -> memref<128xi32, #tpu.memory_space<vmem>>
    %dma_wait3A_110 = arith.constant 0 : i32
    %dma_wait3A_111 = arith.constant 0 : i32
    %dma_wait3A_112 = tpu.memref_slice %arg2[%dma_wait3A_110, %dma_wait3A_111] : memref<1024x64xf32, #tpu.memory_space<hbm>> -> memref<1024x64xf32, #tpu.memory_space<hbm>>
    tpu.wait_indirect_dma semaphore(%arg7 : memref<!tpu.dma_semaphore, #tpu.memory_space<semaphore_mem>>) src(%dma_wait3A_112 : memref<1024x64xf32, #tpu.memory_space<hbm>>) dst(%dma_wait3A_107 : memref<128x64xf32, #tpu.memory_space<vmem>>)
    %dma_wait3A_113 = arith.constant 640 : i32
    %dma_wait3A_114 = arith.constant 0 : i32
    %dma_wait3A_115 = tpu.memref_slice %arg6[%dma_wait3A_113, %dma_wait3A_114] : memref<1152x64xf32, #tpu.memory_space<vmem>> -> memref<128x64xf32, #tpu.memory_space<vmem>>
    %dma_wait3A_116 = arith.constant 640 : i32
    %dma_wait3A_117 = tpu.memref_slice %arg5[%dma_wait3A_116] : memref<1152xi32, #tpu.memory_space<vmem>> -> memref<128xi32, #tpu.memory_space<vmem>>
    %dma_wait3A_118 = arith.constant 0 : i32
    %dma_wait3A_119 = arith.constant 0 : i32
    %dma_wait3A_120 = tpu.memref_slice %arg2[%dma_wait3A_118, %dma_wait3A_119] : memref<1024x64xf32, #tpu.memory_space<hbm>> -> memref<1024x64xf32, #tpu.memory_space<hbm>>
    tpu.wait_indirect_dma semaphore(%arg7 : memref<!tpu.dma_semaphore, #tpu.memory_space<semaphore_mem>>) src(%dma_wait3A_120 : memref<1024x64xf32, #tpu.memory_space<hbm>>) dst(%dma_wait3A_115 : memref<128x64xf32, #tpu.memory_space<vmem>>)
    %dma_wait3A_121 = arith.constant 768 : i32
    %dma_wait3A_122 = arith.constant 0 : i32
    %dma_wait3A_123 = tpu.memref_slice %arg6[%dma_wait3A_121, %dma_wait3A_122] : memref<1152x64xf32, #tpu.memory_space<vmem>> -> memref<128x64xf32, #tpu.memory_space<vmem>>
    %dma_wait3A_124 = arith.constant 768 : i32
    %dma_wait3A_125 = tpu.memref_slice %arg5[%dma_wait3A_124] : memref<1152xi32, #tpu.memory_space<vmem>> -> memref<128xi32, #tpu.memory_space<vmem>>
    %dma_wait3A_126 = arith.constant 0 : i32
    %dma_wait3A_127 = arith.constant 0 : i32
    %dma_wait3A_128 = tpu.memref_slice %arg2[%dma_wait3A_126, %dma_wait3A_127] : memref<1024x64xf32, #tpu.memory_space<hbm>> -> memref<1024x64xf32, #tpu.memory_space<hbm>>
    tpu.wait_indirect_dma semaphore(%arg7 : memref<!tpu.dma_semaphore, #tpu.memory_space<semaphore_mem>>) src(%dma_wait3A_128 : memref<1024x64xf32, #tpu.memory_space<hbm>>) dst(%dma_wait3A_123 : memref<128x64xf32, #tpu.memory_space<vmem>>)
    %dma_wait3A_129 = arith.constant 896 : i32
    %dma_wait3A_130 = arith.constant 0 : i32
    %dma_wait3A_131 = tpu.memref_slice %arg6[%dma_wait3A_129, %dma_wait3A_130] : memref<1152x64xf32, #tpu.memory_space<vmem>> -> memref<128x64xf32, #tpu.memory_space<vmem>>
    %dma_wait3A_132 = arith.constant 896 : i32
    %dma_wait3A_133 = tpu.memref_slice %arg5[%dma_wait3A_132] : memref<1152xi32, #tpu.memory_space<vmem>> -> memref<128xi32, #tpu.memory_space<vmem>>
    %dma_wait3A_134 = arith.constant 0 : i32
    %dma_wait3A_135 = arith.constant 0 : i32
    %dma_wait3A_136 = tpu.memref_slice %arg2[%dma_wait3A_134, %dma_wait3A_135] : memref<1024x64xf32, #tpu.memory_space<hbm>> -> memref<1024x64xf32, #tpu.memory_space<hbm>>
    tpu.wait_indirect_dma semaphore(%arg7 : memref<!tpu.dma_semaphore, #tpu.memory_space<semaphore_mem>>) src(%dma_wait3A_136 : memref<1024x64xf32, #tpu.memory_space<hbm>>) dst(%dma_wait3A_131 : memref<128x64xf32, #tpu.memory_space<vmem>>)
    %dma_wait3A_137 = arith.constant 1024 : i32
    %dma_wait3A_138 = arith.constant 0 : i32
    %dma_wait3A_139 = tpu.memref_slice %arg6[%dma_wait3A_137, %dma_wait3A_138] : memref<1152x64xf32, #tpu.memory_space<vmem>> -> memref<128x64xf32, #tpu.memory_space<vmem>>
    %dma_wait3A_140 = arith.constant 1024 : i32
    %dma_wait3A_141 = tpu.memref_slice %arg5[%dma_wait3A_140] : memref<1152xi32, #tpu.memory_space<vmem>> -> memref<128xi32, #tpu.memory_space<vmem>>
    %dma_wait3A_142 = arith.constant 0 : i32
    %dma_wait3A_143 = arith.constant 0 : i32
    %dma_wait3A_144 = tpu.memref_slice %arg2[%dma_wait3A_142, %dma_wait3A_143] : memref<1024x64xf32, #tpu.memory_space<hbm>> -> memref<1024x64xf32, #tpu.memory_space<hbm>>
    tpu.wait_indirect_dma semaphore(%arg7 : memref<!tpu.dma_semaphore, #tpu.memory_space<semaphore_mem>>) src(%dma_wait3A_144 : memref<1024x64xf32, #tpu.memory_space<hbm>>) dst(%dma_wait3A_139 : memref<128x64xf32, #tpu.memory_space<vmem>>)
    "tpu.region"() ({
      %run_scoped3A = tpu.sem_alloc : memref<!tpu.dma_semaphore, #tpu.memory_space<semaphore_mem>>
      %dma_start3A_145 = arith.constant 0 : i32
      %dma_start3A_146 = tpu.memref_slice %arg4[%mul3A_2, %dma_start3A_145] : memref<36864x64xf32, #tpu.memory_space<hbm>> -> memref<1152x64xf32, #tpu.memory_space<hbm>>
      %dma_start3A_147 = arith.constant 0 : i32
      %dma_start3A_148 = tpu.memref_slice %arg4[%mul3A_2, %dma_start3A_147] : memref<36864x64xf32, #tpu.memory_space<hbm>> -> memref<1152x64xf32, #tpu.memory_space<hbm>>
      tpu.enqueue_dma source(%arg6 : memref<1152x64xf32, #tpu.memory_space<vmem>>) target(%dma_start3A_148 : memref<1152x64xf32, #tpu.memory_space<hbm>>) target_semaphore(%run_scoped3A : memref<!tpu.dma_semaphore, #tpu.memory_space<semaphore_mem>>)
      %dma_wait3A_149 = arith.constant 0 : i32
      %dma_wait3A_150 = tpu.memref_slice %arg4[%mul3A_2, %dma_wait3A_149] : memref<36864x64xf32, #tpu.memory_space<hbm>> -> memref<1152x64xf32, #tpu.memory_space<hbm>>
      %dma_wait3A_151 = arith.constant 0 : i32
      %dma_wait3A_152 = tpu.memref_slice %arg4[%mul3A_2, %dma_wait3A_151] : memref<36864x64xf32, #tpu.memory_space<hbm>> -> memref<1152x64xf32, #tpu.memory_space<hbm>>
      tpu.wait_dma2 semaphore(%run_scoped3A : memref<!tpu.dma_semaphore, #tpu.memory_space<semaphore_mem>>) src(%arg6 : memref<1152x64xf32, #tpu.memory_space<vmem>>) dst(%dma_wait3A_152 : memref<1152x64xf32, #tpu.memory_space<hbm>>)
      tpu.yield
    }) : () -> ()
    return
  }
}

module attributes {stable_mosaic.version = 14 : i64} {
  func.func @_dist_argmin_body(%arg0: i32, %arg1: memref<16x64x576xf32, #tpu.memory_space<vmem>>, %arg2: memref<1024x64xf32, #tpu.memory_space<vmem>>, %arg3: memref<16x576xi32, #tpu.memory_space<vmem>>, %arg4: memref<1x1xf32, #tpu.memory_space<smem>>) attributes {dimension_semantics = [#tpu.dimension_semantics<arbitrary>], iteration_bounds = array<i64: 4>, scalar_prefetch = 0 : i64, scratch_operands = 0 : i64, tpu.core_type = #tpu.core_type<tc>, window_params = [{transform_indices = @transform_0, window_bounds = array<i64: 16, 64, 576>}, {pipeline_mode = #tpu.pipeline_mode<synchronous>, transform_indices = @transform_1, window_bounds = array<i64: 1024, 64>}, {transform_indices = @transform_2, window_bounds = array<i64: 16, 576>}, {transform_indices = @transform_3, window_bounds = array<i64: 1, 1>}]} {
    %get3A = arith.constant 0 : index
    %get3A_0 = arith.constant 0 : index
    %get3A_1 = vector.load %arg2[%get3A, %get3A_0] : memref<1024x64xf32, #tpu.memory_space<vmem>>, vector<1024x64xf32>
    %mul3A = arith.mulf %get3A_1, %get3A_1 : vector<1024x64xf32>
    %reduce_sum3A = arith.constant dense<0.000000e+00> : vector<1024xf32>
    %reduce_sum3A_2 = vector.multi_reduction <add>, %mul3A, %reduce_sum3A [1] : vector<1024x64xf32> to vector<1024xf32>
    %broadcast_in_dim3A = vector.shape_cast %reduce_sum3A_2 : vector<1024xf32> to vector<1024x1xf32>
    %iota3A = tpu.iota {dimensions = array<i32: 0>} : vector<1024x1xi32>
    %convert_element_type3A = arith.sitofp %iota3A : vector<1024x1xi32> to vector<1024x1xf32>
    %eq3A = arith.constant 0 : i32
    %eq3A_3 = arith.cmpi eq, %arg0, %eq3A : i32
    %convert_element_type3A_4 = arith.extui %eq3A_3 : i1 to i32
    %cond3A = arith.constant 0 : i32
    %cond3A_5 = arith.cmpi ne, %convert_element_type3A_4, %cond3A : i32
    scf.if %cond3A_5 {
      %swap3A_719 = arith.constant 0.000000e+00 : f32
      %swap3A_720 = arith.constant 0 : index
      %swap3A_721 = arith.constant 0 : index
      %swap3A_722 = memref.load %arg4[%swap3A_720, %swap3A_721] : memref<1x1xf32, #tpu.memory_space<smem>>
      memref.store %swap3A_719, %arg4[%swap3A_720, %swap3A_721] : memref<1x1xf32, #tpu.memory_space<smem>>
    } else {
    }
    %get3A_6 = arith.constant 0 : index
    %get3A_7 = arith.constant 0 : index
    %get3A_8 = arith.constant 0 : index
    %get3A_9 = vector.load %arg1[%get3A_6, %get3A_7, %get3A_8] : memref<16x64x576xf32, #tpu.memory_space<vmem>>, vector<1x64x576xf32>
    %get3A_10 = vector.shape_cast %get3A_9 : vector<1x64x576xf32> to vector<64x576xf32>
    %mul3A_11 = arith.mulf %get3A_10, %get3A_10 : vector<64x576xf32>
    %reduce_sum3A_12 = arith.constant dense<0.000000e+00> : vector<576xf32>
    %reduce_sum3A_13 = vector.multi_reduction <add>, %mul3A_11, %reduce_sum3A_12 [0] : vector<64x576xf32> to vector<576xf32>
    %broadcast_in_dim3A_14 = vector.shape_cast %reduce_sum3A_13 : vector<576xf32> to vector<1x576xf32>
    %add3A = arith.addf %get3A_10, %get3A_10 : vector<64x576xf32>
    %dot_general3A = arith.constant dense<0.000000e+00> : vector<1024x576xf32>
    %dot_general3A_15 = tpu.matmul %get3A_1, %add3A, %dot_general3A {dimension_numbers = #tpu.dot_dimension_numbers<[1], [0], [0], [1], [0, 0, 1, 1], [], []>, transpose_lhs_hint = false} : vector<1024x64xf32>, vector<64x576xf32>, vector<1024x576xf32> -> vector<1024x576xf32>
    %add3A_16 = vector.broadcast %broadcast_in_dim3A_14 : vector<1x576xf32> to vector<1024x576xf32>
    %add3A_17 = vector.broadcast %broadcast_in_dim3A : vector<1024x1xf32> to vector<1024x576xf32>
    %add3A_18 = arith.addf %add3A_16, %add3A_17 : vector<1024x576xf32>
    %sub3A = arith.subf %add3A_18, %dot_general3A_15 : vector<1024x576xf32>
    %reduce_min3A = arith.constant dense<0x7F800000> : vector<576xf32>
    %reduce_min3A_19 = vector.multi_reduction <minimumf>, %sub3A, %reduce_min3A [0] : vector<1024x576xf32> to vector<576xf32>
    %broadcast_in_dim3A_20 = vector.shape_cast %reduce_min3A_19 : vector<576xf32> to vector<1x576xf32>
    %eq3A_21 = vector.broadcast %broadcast_in_dim3A_20 : vector<1x576xf32> to vector<1024x576xf32>
    %eq3A_22 = arith.cmpf oeq, %sub3A, %eq3A_21 : vector<1024x576xf32>
    %jit3A = arith.constant 1.024000e+03 : f32
    %broadcast_in_dim3A_23 = vector.shape_cast %convert_element_type3A : vector<1024x1xf32> to vector<1024x1xf32>
    %broadcast_in_dim3A_24 = vector.broadcast %broadcast_in_dim3A_23 : vector<1024x1xf32> to vector<1024x576xf32>
    %broadcast_in_dim3A_25 = vector.broadcast %jit3A : f32 to vector<1024x576xf32>
    %select_n3A = arith.select %eq3A_22, %broadcast_in_dim3A_24, %broadcast_in_dim3A_25 : vector<1024x576xi1>, vector<1024x576xf32>
    %reduce_min3A_26 = arith.constant dense<0x7F800000> : vector<576xf32>
    %reduce_min3A_27 = vector.multi_reduction <minimumf>, %select_n3A, %reduce_min3A_26 [0] : vector<1024x576xf32> to vector<576xf32>
    %broadcast_in_dim3A_28 = vector.shape_cast %reduce_min3A_27 : vector<576xf32> to vector<1x576xf32>
    %convert_element_type3A_29 = arith.fptosi %broadcast_in_dim3A_28 : vector<1x576xf32> to vector<1x576xi32>
    %swap3A = arith.constant 0 : index
    %swap3A_30 = arith.constant 0 : index
    %swap3A_31 = vector.load %arg3[%swap3A, %swap3A_30] : memref<16x576xi32, #tpu.memory_space<vmem>>, vector<1x576xi32>
    tpu.vector_store %arg3[%swap3A, %swap3A_30], %convert_element_type3A_29 {strides = array<i32>} : memref<16x576xi32, #tpu.memory_space<vmem>>, vector<1x576xi32>,
    %get3A_32 = arith.constant 0 : index
    %get3A_33 = arith.constant 0 : index
    %get3A_34 = memref.load %arg4[%get3A_32, %get3A_33] : memref<1x1xf32, #tpu.memory_space<smem>>
    %reduce_sum3A_35 = vector.shape_cast %broadcast_in_dim3A_20 : vector<1x576xf32> to vector<1x1x576xf32>
    %reduce_sum3A_36 = arith.constant dense<0.000000e+00> : vector<1xf32>
    %reduce_sum3A_37 = vector.multi_reduction <add>, %reduce_sum3A_35, %reduce_sum3A_36 [1, 2] : vector<1x1x576xf32> to vector<1xf32>
    %reduce_sum3A_38 = vector.shape_cast %reduce_sum3A_37 : vector<1xf32> to vector<1x1x1xf32>
    %reduce_sum3A_39 = vector.extract %reduce_sum3A_38[0, 0, 0] : f32 from vector<1x1x1xf32>
    %add3A_40 = arith.addf %get3A_34, %reduce_sum3A_39 : f32
    %swap3A_41 = arith.constant 0 : index
    %swap3A_42 = arith.constant 0 : index
    %swap3A_43 = memref.load %arg4[%swap3A_41, %swap3A_42] : memref<1x1xf32, #tpu.memory_space<smem>>
    memref.store %add3A_40, %arg4[%swap3A_41, %swap3A_42] : memref<1x1xf32, #tpu.memory_space<smem>>
    %get3A_44 = arith.constant 1 : index
    %get3A_45 = arith.constant 0 : index
    %get3A_46 = arith.constant 0 : index
    %get3A_47 = vector.load %arg1[%get3A_44, %get3A_45, %get3A_46] : memref<16x64x576xf32, #tpu.memory_space<vmem>>, vector<1x64x576xf32>
    %get3A_48 = vector.shape_cast %get3A_47 : vector<1x64x576xf32> to vector<64x576xf32>
    %mul3A_49 = arith.mulf %get3A_48, %get3A_48 : vector<64x576xf32>
    %reduce_sum3A_50 = arith.constant dense<0.000000e+00> : vector<576xf32>
    %reduce_sum3A_51 = vector.multi_reduction <add>, %mul3A_49, %reduce_sum3A_50 [0] : vector<64x576xf32> to vector<576xf32>
    %broadcast_in_dim3A_52 = vector.shape_cast %reduce_sum3A_51 : vector<576xf32> to vector<1x576xf32>
    %add3A_53 = arith.addf %get3A_48, %get3A_48 : vector<64x576xf32>
    %dot_general3A_54 = arith.constant dense<0.000000e+00> : vector<1024x576xf32>
    %dot_general3A_55 = tpu.matmul %get3A_1, %add3A_53, %dot_general3A_54 {dimension_numbers = #tpu.dot_dimension_numbers<[1], [0], [0], [1], [0, 0, 1, 1], [], []>, transpose_lhs_hint = false} : vector<1024x64xf32>, vector<64x576xf32>, vector<1024x576xf32> -> vector<1024x576xf32>
    %add3A_56 = vector.broadcast %broadcast_in_dim3A_52 : vector<1x576xf32> to vector<1024x576xf32>
    %add3A_57 = vector.broadcast %broadcast_in_dim3A : vector<1024x1xf32> to vector<1024x576xf32>
    %add3A_58 = arith.addf %add3A_56, %add3A_57 : vector<1024x576xf32>
    %sub3A_59 = arith.subf %add3A_58, %dot_general3A_55 : vector<1024x576xf32>
    %reduce_min3A_60 = arith.constant dense<0x7F800000> : vector<576xf32>
    %reduce_min3A_61 = vector.multi_reduction <minimumf>, %sub3A_59, %reduce_min3A_60 [0] : vector<1024x576xf32> to vector<576xf32>
    %broadcast_in_dim3A_62 = vector.shape_cast %reduce_min3A_61 : vector<576xf32> to vector<1x576xf32>
    %eq3A_63 = vector.broadcast %broadcast_in_dim3A_62 : vector<1x576xf32> to vector<1024x576xf32>
    %eq3A_64 = arith.cmpf oeq, %sub3A_59, %eq3A_63 : vector<1024x576xf32>
    %jit3A_65 = arith.constant 1.024000e+03 : f32
    %broadcast_in_dim3A_66 = vector.shape_cast %convert_element_type3A : vector<1024x1xf32> to vector<1024x1xf32>
    %broadcast_in_dim3A_67 = vector.broadcast %broadcast_in_dim3A_66 : vector<1024x1xf32> to vector<1024x576xf32>
    %broadcast_in_dim3A_68 = vector.broadcast %jit3A_65 : f32 to vector<1024x576xf32>
    %select_n3A_69 = arith.select %eq3A_64, %broadcast_in_dim3A_67, %broadcast_in_dim3A_68 : vector<1024x576xi1>, vector<1024x576xf32>
    %reduce_min3A_70 = arith.constant dense<0x7F800000> : vector<576xf32>
    %reduce_min3A_71 = vector.multi_reduction <minimumf>, %select_n3A_69, %reduce_min3A_70 [0] : vector<1024x576xf32> to vector<576xf32>
    %broadcast_in_dim3A_72 = vector.shape_cast %reduce_min3A_71 : vector<576xf32> to vector<1x576xf32>
    %convert_element_type3A_73 = arith.fptosi %broadcast_in_dim3A_72 : vector<1x576xf32> to vector<1x576xi32>
    %swap3A_74 = arith.constant 1 : index
    %swap3A_75 = arith.constant 0 : index
    %swap3A_76 = vector.load %arg3[%swap3A_74, %swap3A_75] : memref<16x576xi32, #tpu.memory_space<vmem>>, vector<1x576xi32>
    tpu.vector_store %arg3[%swap3A_74, %swap3A_75], %convert_element_type3A_73 {strides = array<i32>} : memref<16x576xi32, #tpu.memory_space<vmem>>, vector<1x576xi32>,
    %get3A_77 = arith.constant 0 : index
    %get3A_78 = arith.constant 0 : index
    %get3A_79 = memref.load %arg4[%get3A_77, %get3A_78] : memref<1x1xf32, #tpu.memory_space<smem>>
    %reduce_sum3A_80 = vector.shape_cast %broadcast_in_dim3A_62 : vector<1x576xf32> to vector<1x1x576xf32>
    %reduce_sum3A_81 = arith.constant dense<0.000000e+00> : vector<1xf32>
    %reduce_sum3A_82 = vector.multi_reduction <add>, %reduce_sum3A_80, %reduce_sum3A_81 [1, 2] : vector<1x1x576xf32> to vector<1xf32>
    %reduce_sum3A_83 = vector.shape_cast %reduce_sum3A_82 : vector<1xf32> to vector<1x1x1xf32>
    %reduce_sum3A_84 = vector.extract %reduce_sum3A_83[0, 0, 0] : f32 from vector<1x1x1xf32>
    %add3A_85 = arith.addf %get3A_79, %reduce_sum3A_84 : f32
    %swap3A_86 = arith.constant 0 : index
    %swap3A_87 = arith.constant 0 : index
    %swap3A_88 = memref.load %arg4[%swap3A_86, %swap3A_87] : memref<1x1xf32, #tpu.memory_space<smem>>
    memref.store %add3A_85, %arg4[%swap3A_86, %swap3A_87] : memref<1x1xf32, #tpu.memory_space<smem>>
    %get3A_89 = arith.constant 2 : index
    %get3A_90 = arith.constant 0 : index
    %get3A_91 = arith.constant 0 : index
    %get3A_92 = vector.load %arg1[%get3A_89, %get3A_90, %get3A_91] : memref<16x64x576xf32, #tpu.memory_space<vmem>>, vector<1x64x576xf32>
    %get3A_93 = vector.shape_cast %get3A_92 : vector<1x64x576xf32> to vector<64x576xf32>
    %mul3A_94 = arith.mulf %get3A_93, %get3A_93 : vector<64x576xf32>
    %reduce_sum3A_95 = arith.constant dense<0.000000e+00> : vector<576xf32>
    %reduce_sum3A_96 = vector.multi_reduction <add>, %mul3A_94, %reduce_sum3A_95 [0] : vector<64x576xf32> to vector<576xf32>
    %broadcast_in_dim3A_97 = vector.shape_cast %reduce_sum3A_96 : vector<576xf32> to vector<1x576xf32>
    %add3A_98 = arith.addf %get3A_93, %get3A_93 : vector<64x576xf32>
    %dot_general3A_99 = arith.constant dense<0.000000e+00> : vector<1024x576xf32>
    %dot_general3A_100 = tpu.matmul %get3A_1, %add3A_98, %dot_general3A_99 {dimension_numbers = #tpu.dot_dimension_numbers<[1], [0], [0], [1], [0, 0, 1, 1], [], []>, transpose_lhs_hint = false} : vector<1024x64xf32>, vector<64x576xf32>, vector<1024x576xf32> -> vector<1024x576xf32>
    %add3A_101 = vector.broadcast %broadcast_in_dim3A_97 : vector<1x576xf32> to vector<1024x576xf32>
    %add3A_102 = vector.broadcast %broadcast_in_dim3A : vector<1024x1xf32> to vector<1024x576xf32>
    %add3A_103 = arith.addf %add3A_101, %add3A_102 : vector<1024x576xf32>
    %sub3A_104 = arith.subf %add3A_103, %dot_general3A_100 : vector<1024x576xf32>
    %reduce_min3A_105 = arith.constant dense<0x7F800000> : vector<576xf32>
    %reduce_min3A_106 = vector.multi_reduction <minimumf>, %sub3A_104, %reduce_min3A_105 [0] : vector<1024x576xf32> to vector<576xf32>
    %broadcast_in_dim3A_107 = vector.shape_cast %reduce_min3A_106 : vector<576xf32> to vector<1x576xf32>
    %eq3A_108 = vector.broadcast %broadcast_in_dim3A_107 : vector<1x576xf32> to vector<1024x576xf32>
    %eq3A_109 = arith.cmpf oeq, %sub3A_104, %eq3A_108 : vector<1024x576xf32>
    %jit3A_110 = arith.constant 1.024000e+03 : f32
    %broadcast_in_dim3A_111 = vector.shape_cast %convert_element_type3A : vector<1024x1xf32> to vector<1024x1xf32>
    %broadcast_in_dim3A_112 = vector.broadcast %broadcast_in_dim3A_111 : vector<1024x1xf32> to vector<1024x576xf32>
    %broadcast_in_dim3A_113 = vector.broadcast %jit3A_110 : f32 to vector<1024x576xf32>
    %select_n3A_114 = arith.select %eq3A_109, %broadcast_in_dim3A_112, %broadcast_in_dim3A_113 : vector<1024x576xi1>, vector<1024x576xf32>
    %reduce_min3A_115 = arith.constant dense<0x7F800000> : vector<576xf32>
    %reduce_min3A_116 = vector.multi_reduction <minimumf>, %select_n3A_114, %reduce_min3A_115 [0] : vector<1024x576xf32> to vector<576xf32>
    %broadcast_in_dim3A_117 = vector.shape_cast %reduce_min3A_116 : vector<576xf32> to vector<1x576xf32>
    %convert_element_type3A_118 = arith.fptosi %broadcast_in_dim3A_117 : vector<1x576xf32> to vector<1x576xi32>
    %swap3A_119 = arith.constant 2 : index
    %swap3A_120 = arith.constant 0 : index
    %swap3A_121 = vector.load %arg3[%swap3A_119, %swap3A_120] : memref<16x576xi32, #tpu.memory_space<vmem>>, vector<1x576xi32>
    tpu.vector_store %arg3[%swap3A_119, %swap3A_120], %convert_element_type3A_118 {strides = array<i32>} : memref<16x576xi32, #tpu.memory_space<vmem>>, vector<1x576xi32>,
    %get3A_122 = arith.constant 0 : index
    %get3A_123 = arith.constant 0 : index
    %get3A_124 = memref.load %arg4[%get3A_122, %get3A_123] : memref<1x1xf32, #tpu.memory_space<smem>>
    %reduce_sum3A_125 = vector.shape_cast %broadcast_in_dim3A_107 : vector<1x576xf32> to vector<1x1x576xf32>
    %reduce_sum3A_126 = arith.constant dense<0.000000e+00> : vector<1xf32>
    %reduce_sum3A_127 = vector.multi_reduction <add>, %reduce_sum3A_125, %reduce_sum3A_126 [1, 2] : vector<1x1x576xf32> to vector<1xf32>
    %reduce_sum3A_128 = vector.shape_cast %reduce_sum3A_127 : vector<1xf32> to vector<1x1x1xf32>
    %reduce_sum3A_129 = vector.extract %reduce_sum3A_128[0, 0, 0] : f32 from vector<1x1x1xf32>
    %add3A_130 = arith.addf %get3A_124, %reduce_sum3A_129 : f32
    %swap3A_131 = arith.constant 0 : index
    %swap3A_132 = arith.constant 0 : index
    %swap3A_133 = memref.load %arg4[%swap3A_131, %swap3A_132] : memref<1x1xf32, #tpu.memory_space<smem>>
    memref.store %add3A_130, %arg4[%swap3A_131, %swap3A_132] : memref<1x1xf32, #tpu.memory_space<smem>>
    %get3A_134 = arith.constant 3 : index
    %get3A_135 = arith.constant 0 : index
    %get3A_136 = arith.constant 0 : index
    %get3A_137 = vector.load %arg1[%get3A_134, %get3A_135, %get3A_136] : memref<16x64x576xf32, #tpu.memory_space<vmem>>, vector<1x64x576xf32>
    %get3A_138 = vector.shape_cast %get3A_137 : vector<1x64x576xf32> to vector<64x576xf32>
    %mul3A_139 = arith.mulf %get3A_138, %get3A_138 : vector<64x576xf32>
    %reduce_sum3A_140 = arith.constant dense<0.000000e+00> : vector<576xf32>
    %reduce_sum3A_141 = vector.multi_reduction <add>, %mul3A_139, %reduce_sum3A_140 [0] : vector<64x576xf32> to vector<576xf32>
    %broadcast_in_dim3A_142 = vector.shape_cast %reduce_sum3A_141 : vector<576xf32> to vector<1x576xf32>
    %add3A_143 = arith.addf %get3A_138, %get3A_138 : vector<64x576xf32>
    %dot_general3A_144 = arith.constant dense<0.000000e+00> : vector<1024x576xf32>
    %dot_general3A_145 = tpu.matmul %get3A_1, %add3A_143, %dot_general3A_144 {dimension_numbers = #tpu.dot_dimension_numbers<[1], [0], [0], [1], [0, 0, 1, 1], [], []>, transpose_lhs_hint = false} : vector<1024x64xf32>, vector<64x576xf32>, vector<1024x576xf32> -> vector<1024x576xf32>
    %add3A_146 = vector.broadcast %broadcast_in_dim3A_142 : vector<1x576xf32> to vector<1024x576xf32>
    %add3A_147 = vector.broadcast %broadcast_in_dim3A : vector<1024x1xf32> to vector<1024x576xf32>
    %add3A_148 = arith.addf %add3A_146, %add3A_147 : vector<1024x576xf32>
    %sub3A_149 = arith.subf %add3A_148, %dot_general3A_145 : vector<1024x576xf32>
    %reduce_min3A_150 = arith.constant dense<0x7F800000> : vector<576xf32>
    %reduce_min3A_151 = vector.multi_reduction <minimumf>, %sub3A_149, %reduce_min3A_150 [0] : vector<1024x576xf32> to vector<576xf32>
    %broadcast_in_dim3A_152 = vector.shape_cast %reduce_min3A_151 : vector<576xf32> to vector<1x576xf32>
    %eq3A_153 = vector.broadcast %broadcast_in_dim3A_152 : vector<1x576xf32> to vector<1024x576xf32>
    %eq3A_154 = arith.cmpf oeq, %sub3A_149, %eq3A_153 : vector<1024x576xf32>
    %jit3A_155 = arith.constant 1.024000e+03 : f32
    %broadcast_in_dim3A_156 = vector.shape_cast %convert_element_type3A : vector<1024x1xf32> to vector<1024x1xf32>
    %broadcast_in_dim3A_157 = vector.broadcast %broadcast_in_dim3A_156 : vector<1024x1xf32> to vector<1024x576xf32>
    %broadcast_in_dim3A_158 = vector.broadcast %jit3A_155 : f32 to vector<1024x576xf32>
    %select_n3A_159 = arith.select %eq3A_154, %broadcast_in_dim3A_157, %broadcast_in_dim3A_158 : vector<1024x576xi1>, vector<1024x576xf32>
    %reduce_min3A_160 = arith.constant dense<0x7F800000> : vector<576xf32>
    %reduce_min3A_161 = vector.multi_reduction <minimumf>, %select_n3A_159, %reduce_min3A_160 [0] : vector<1024x576xf32> to vector<576xf32>
    %broadcast_in_dim3A_162 = vector.shape_cast %reduce_min3A_161 : vector<576xf32> to vector<1x576xf32>
    %convert_element_type3A_163 = arith.fptosi %broadcast_in_dim3A_162 : vector<1x576xf32> to vector<1x576xi32>
    %swap3A_164 = arith.constant 3 : index
    %swap3A_165 = arith.constant 0 : index
    %swap3A_166 = vector.load %arg3[%swap3A_164, %swap3A_165] : memref<16x576xi32, #tpu.memory_space<vmem>>, vector<1x576xi32>
    tpu.vector_store %arg3[%swap3A_164, %swap3A_165], %convert_element_type3A_163 {strides = array<i32>} : memref<16x576xi32, #tpu.memory_space<vmem>>, vector<1x576xi32>,
    %get3A_167 = arith.constant 0 : index
    %get3A_168 = arith.constant 0 : index
    %get3A_169 = memref.load %arg4[%get3A_167, %get3A_168] : memref<1x1xf32, #tpu.memory_space<smem>>
    %reduce_sum3A_170 = vector.shape_cast %broadcast_in_dim3A_152 : vector<1x576xf32> to vector<1x1x576xf32>
    %reduce_sum3A_171 = arith.constant dense<0.000000e+00> : vector<1xf32>
    %reduce_sum3A_172 = vector.multi_reduction <add>, %reduce_sum3A_170, %reduce_sum3A_171 [1, 2] : vector<1x1x576xf32> to vector<1xf32>
    %reduce_sum3A_173 = vector.shape_cast %reduce_sum3A_172 : vector<1xf32> to vector<1x1x1xf32>
    %reduce_sum3A_174 = vector.extract %reduce_sum3A_173[0, 0, 0] : f32 from vector<1x1x1xf32>
    %add3A_175 = arith.addf %get3A_169, %reduce_sum3A_174 : f32
    %swap3A_176 = arith.constant 0 : index
    %swap3A_177 = arith.constant 0 : index
    %swap3A_178 = memref.load %arg4[%swap3A_176, %swap3A_177] : memref<1x1xf32, #tpu.memory_space<smem>>
    memref.store %add3A_175, %arg4[%swap3A_176, %swap3A_177] : memref<1x1xf32, #tpu.memory_space<smem>>
    %get3A_179 = arith.constant 4 : index
    %get3A_180 = arith.constant 0 : index
    %get3A_181 = arith.constant 0 : index
    %get3A_182 = vector.load %arg1[%get3A_179, %get3A_180, %get3A_181] : memref<16x64x576xf32, #tpu.memory_space<vmem>>, vector<1x64x576xf32>
    %get3A_183 = vector.shape_cast %get3A_182 : vector<1x64x576xf32> to vector<64x576xf32>
    %mul3A_184 = arith.mulf %get3A_183, %get3A_183 : vector<64x576xf32>
    %reduce_sum3A_185 = arith.constant dense<0.000000e+00> : vector<576xf32>
    %reduce_sum3A_186 = vector.multi_reduction <add>, %mul3A_184, %reduce_sum3A_185 [0] : vector<64x576xf32> to vector<576xf32>
    %broadcast_in_dim3A_187 = vector.shape_cast %reduce_sum3A_186 : vector<576xf32> to vector<1x576xf32>
    %add3A_188 = arith.addf %get3A_183, %get3A_183 : vector<64x576xf32>
    %dot_general3A_189 = arith.constant dense<0.000000e+00> : vector<1024x576xf32>
    %dot_general3A_190 = tpu.matmul %get3A_1, %add3A_188, %dot_general3A_189 {dimension_numbers = #tpu.dot_dimension_numbers<[1], [0], [0], [1], [0, 0, 1, 1], [], []>, transpose_lhs_hint = false} : vector<1024x64xf32>, vector<64x576xf32>, vector<1024x576xf32> -> vector<1024x576xf32>
    %add3A_191 = vector.broadcast %broadcast_in_dim3A_187 : vector<1x576xf32> to vector<1024x576xf32>
    %add3A_192 = vector.broadcast %broadcast_in_dim3A : vector<1024x1xf32> to vector<1024x576xf32>
    %add3A_193 = arith.addf %add3A_191, %add3A_192 : vector<1024x576xf32>
    %sub3A_194 = arith.subf %add3A_193, %dot_general3A_190 : vector<1024x576xf32>
    %reduce_min3A_195 = arith.constant dense<0x7F800000> : vector<576xf32>
    %reduce_min3A_196 = vector.multi_reduction <minimumf>, %sub3A_194, %reduce_min3A_195 [0] : vector<1024x576xf32> to vector<576xf32>
    %broadcast_in_dim3A_197 = vector.shape_cast %reduce_min3A_196 : vector<576xf32> to vector<1x576xf32>
    %eq3A_198 = vector.broadcast %broadcast_in_dim3A_197 : vector<1x576xf32> to vector<1024x576xf32>
    %eq3A_199 = arith.cmpf oeq, %sub3A_194, %eq3A_198 : vector<1024x576xf32>
    %jit3A_200 = arith.constant 1.024000e+03 : f32
    %broadcast_in_dim3A_201 = vector.shape_cast %convert_element_type3A : vector<1024x1xf32> to vector<1024x1xf32>
    %broadcast_in_dim3A_202 = vector.broadcast %broadcast_in_dim3A_201 : vector<1024x1xf32> to vector<1024x576xf32>
    %broadcast_in_dim3A_203 = vector.broadcast %jit3A_200 : f32 to vector<1024x576xf32>
    %select_n3A_204 = arith.select %eq3A_199, %broadcast_in_dim3A_202, %broadcast_in_dim3A_203 : vector<1024x576xi1>, vector<1024x576xf32>
    %reduce_min3A_205 = arith.constant dense<0x7F800000> : vector<576xf32>
    %reduce_min3A_206 = vector.multi_reduction <minimumf>, %select_n3A_204, %reduce_min3A_205 [0] : vector<1024x576xf32> to vector<576xf32>
    %broadcast_in_dim3A_207 = vector.shape_cast %reduce_min3A_206 : vector<576xf32> to vector<1x576xf32>
    %convert_element_type3A_208 = arith.fptosi %broadcast_in_dim3A_207 : vector<1x576xf32> to vector<1x576xi32>
    %swap3A_209 = arith.constant 4 : index
    %swap3A_210 = arith.constant 0 : index
    %swap3A_211 = vector.load %arg3[%swap3A_209, %swap3A_210] : memref<16x576xi32, #tpu.memory_space<vmem>>, vector<1x576xi32>
    tpu.vector_store %arg3[%swap3A_209, %swap3A_210], %convert_element_type3A_208 {strides = array<i32>} : memref<16x576xi32, #tpu.memory_space<vmem>>, vector<1x576xi32>,
    %get3A_212 = arith.constant 0 : index
    %get3A_213 = arith.constant 0 : index
    %get3A_214 = memref.load %arg4[%get3A_212, %get3A_213] : memref<1x1xf32, #tpu.memory_space<smem>>
    %reduce_sum3A_215 = vector.shape_cast %broadcast_in_dim3A_197 : vector<1x576xf32> to vector<1x1x576xf32>
    %reduce_sum3A_216 = arith.constant dense<0.000000e+00> : vector<1xf32>
    %reduce_sum3A_217 = vector.multi_reduction <add>, %reduce_sum3A_215, %reduce_sum3A_216 [1, 2] : vector<1x1x576xf32> to vector<1xf32>
    %reduce_sum3A_218 = vector.shape_cast %reduce_sum3A_217 : vector<1xf32> to vector<1x1x1xf32>
    %reduce_sum3A_219 = vector.extract %reduce_sum3A_218[0, 0, 0] : f32 from vector<1x1x1xf32>
    %add3A_220 = arith.addf %get3A_214, %reduce_sum3A_219 : f32
    %swap3A_221 = arith.constant 0 : index
    %swap3A_222 = arith.constant 0 : index
    %swap3A_223 = memref.load %arg4[%swap3A_221, %swap3A_222] : memref<1x1xf32, #tpu.memory_space<smem>>
    memref.store %add3A_220, %arg4[%swap3A_221, %swap3A_222] : memref<1x1xf32, #tpu.memory_space<smem>>
    %get3A_224 = arith.constant 5 : index
    %get3A_225 = arith.constant 0 : index
    %get3A_226 = arith.constant 0 : index
    %get3A_227 = vector.load %arg1[%get3A_224, %get3A_225, %get3A_226] : memref<16x64x576xf32, #tpu.memory_space<vmem>>, vector<1x64x576xf32>
    %get3A_228 = vector.shape_cast %get3A_227 : vector<1x64x576xf32> to vector<64x576xf32>
    %mul3A_229 = arith.mulf %get3A_228, %get3A_228 : vector<64x576xf32>
    %reduce_sum3A_230 = arith.constant dense<0.000000e+00> : vector<576xf32>
    %reduce_sum3A_231 = vector.multi_reduction <add>, %mul3A_229, %reduce_sum3A_230 [0] : vector<64x576xf32> to vector<576xf32>
    %broadcast_in_dim3A_232 = vector.shape_cast %reduce_sum3A_231 : vector<576xf32> to vector<1x576xf32>
    %add3A_233 = arith.addf %get3A_228, %get3A_228 : vector<64x576xf32>
    %dot_general3A_234 = arith.constant dense<0.000000e+00> : vector<1024x576xf32>
    %dot_general3A_235 = tpu.matmul %get3A_1, %add3A_233, %dot_general3A_234 {dimension_numbers = #tpu.dot_dimension_numbers<[1], [0], [0], [1], [0, 0, 1, 1], [], []>, transpose_lhs_hint = false} : vector<1024x64xf32>, vector<64x576xf32>, vector<1024x576xf32> -> vector<1024x576xf32>
    %add3A_236 = vector.broadcast %broadcast_in_dim3A_232 : vector<1x576xf32> to vector<1024x576xf32>
    %add3A_237 = vector.broadcast %broadcast_in_dim3A : vector<1024x1xf32> to vector<1024x576xf32>
    %add3A_238 = arith.addf %add3A_236, %add3A_237 : vector<1024x576xf32>
    %sub3A_239 = arith.subf %add3A_238, %dot_general3A_235 : vector<1024x576xf32>
    %reduce_min3A_240 = arith.constant dense<0x7F800000> : vector<576xf32>
    %reduce_min3A_241 = vector.multi_reduction <minimumf>, %sub3A_239, %reduce_min3A_240 [0] : vector<1024x576xf32> to vector<576xf32>
    %broadcast_in_dim3A_242 = vector.shape_cast %reduce_min3A_241 : vector<576xf32> to vector<1x576xf32>
    %eq3A_243 = vector.broadcast %broadcast_in_dim3A_242 : vector<1x576xf32> to vector<1024x576xf32>
    %eq3A_244 = arith.cmpf oeq, %sub3A_239, %eq3A_243 : vector<1024x576xf32>
    %jit3A_245 = arith.constant 1.024000e+03 : f32
    %broadcast_in_dim3A_246 = vector.shape_cast %convert_element_type3A : vector<1024x1xf32> to vector<1024x1xf32>
    %broadcast_in_dim3A_247 = vector.broadcast %broadcast_in_dim3A_246 : vector<1024x1xf32> to vector<1024x576xf32>
    %broadcast_in_dim3A_248 = vector.broadcast %jit3A_245 : f32 to vector<1024x576xf32>
    %select_n3A_249 = arith.select %eq3A_244, %broadcast_in_dim3A_247, %broadcast_in_dim3A_248 : vector<1024x576xi1>, vector<1024x576xf32>
    %reduce_min3A_250 = arith.constant dense<0x7F800000> : vector<576xf32>
    %reduce_min3A_251 = vector.multi_reduction <minimumf>, %select_n3A_249, %reduce_min3A_250 [0] : vector<1024x576xf32> to vector<576xf32>
    %broadcast_in_dim3A_252 = vector.shape_cast %reduce_min3A_251 : vector<576xf32> to vector<1x576xf32>
    %convert_element_type3A_253 = arith.fptosi %broadcast_in_dim3A_252 : vector<1x576xf32> to vector<1x576xi32>
    %swap3A_254 = arith.constant 5 : index
    %swap3A_255 = arith.constant 0 : index
    %swap3A_256 = vector.load %arg3[%swap3A_254, %swap3A_255] : memref<16x576xi32, #tpu.memory_space<vmem>>, vector<1x576xi32>
    tpu.vector_store %arg3[%swap3A_254, %swap3A_255], %convert_element_type3A_253 {strides = array<i32>} : memref<16x576xi32, #tpu.memory_space<vmem>>, vector<1x576xi32>,
    %get3A_257 = arith.constant 0 : index
    %get3A_258 = arith.constant 0 : index
    %get3A_259 = memref.load %arg4[%get3A_257, %get3A_258] : memref<1x1xf32, #tpu.memory_space<smem>>
    %reduce_sum3A_260 = vector.shape_cast %broadcast_in_dim3A_242 : vector<1x576xf32> to vector<1x1x576xf32>
    %reduce_sum3A_261 = arith.constant dense<0.000000e+00> : vector<1xf32>
    %reduce_sum3A_262 = vector.multi_reduction <add>, %reduce_sum3A_260, %reduce_sum3A_261 [1, 2] : vector<1x1x576xf32> to vector<1xf32>
    %reduce_sum3A_263 = vector.shape_cast %reduce_sum3A_262 : vector<1xf32> to vector<1x1x1xf32>
    %reduce_sum3A_264 = vector.extract %reduce_sum3A_263[0, 0, 0] : f32 from vector<1x1x1xf32>
    %add3A_265 = arith.addf %get3A_259, %reduce_sum3A_264 : f32
    %swap3A_266 = arith.constant 0 : index
    %swap3A_267 = arith.constant 0 : index
    %swap3A_268 = memref.load %arg4[%swap3A_266, %swap3A_267] : memref<1x1xf32, #tpu.memory_space<smem>>
    memref.store %add3A_265, %arg4[%swap3A_266, %swap3A_267] : memref<1x1xf32, #tpu.memory_space<smem>>
    %get3A_269 = arith.constant 6 : index
    %get3A_270 = arith.constant 0 : index
    %get3A_271 = arith.constant 0 : index
    %get3A_272 = vector.load %arg1[%get3A_269, %get3A_270, %get3A_271] : memref<16x64x576xf32, #tpu.memory_space<vmem>>, vector<1x64x576xf32>
    %get3A_273 = vector.shape_cast %get3A_272 : vector<1x64x576xf32> to vector<64x576xf32>
    %mul3A_274 = arith.mulf %get3A_273, %get3A_273 : vector<64x576xf32>
    %reduce_sum3A_275 = arith.constant dense<0.000000e+00> : vector<576xf32>
    %reduce_sum3A_276 = vector.multi_reduction <add>, %mul3A_274, %reduce_sum3A_275 [0] : vector<64x576xf32> to vector<576xf32>
    %broadcast_in_dim3A_277 = vector.shape_cast %reduce_sum3A_276 : vector<576xf32> to vector<1x576xf32>
    %add3A_278 = arith.addf %get3A_273, %get3A_273 : vector<64x576xf32>
    %dot_general3A_279 = arith.constant dense<0.000000e+00> : vector<1024x576xf32>
    %dot_general3A_280 = tpu.matmul %get3A_1, %add3A_278, %dot_general3A_279 {dimension_numbers = #tpu.dot_dimension_numbers<[1], [0], [0], [1], [0, 0, 1, 1], [], []>, transpose_lhs_hint = false} : vector<1024x64xf32>, vector<64x576xf32>, vector<1024x576xf32> -> vector<1024x576xf32>
    %add3A_281 = vector.broadcast %broadcast_in_dim3A_277 : vector<1x576xf32> to vector<1024x576xf32>
    %add3A_282 = vector.broadcast %broadcast_in_dim3A : vector<1024x1xf32> to vector<1024x576xf32>
    %add3A_283 = arith.addf %add3A_281, %add3A_282 : vector<1024x576xf32>
    %sub3A_284 = arith.subf %add3A_283, %dot_general3A_280 : vector<1024x576xf32>
    %reduce_min3A_285 = arith.constant dense<0x7F800000> : vector<576xf32>
    %reduce_min3A_286 = vector.multi_reduction <minimumf>, %sub3A_284, %reduce_min3A_285 [0] : vector<1024x576xf32> to vector<576xf32>
    %broadcast_in_dim3A_287 = vector.shape_cast %reduce_min3A_286 : vector<576xf32> to vector<1x576xf32>
    %eq3A_288 = vector.broadcast %broadcast_in_dim3A_287 : vector<1x576xf32> to vector<1024x576xf32>
    %eq3A_289 = arith.cmpf oeq, %sub3A_284, %eq3A_288 : vector<1024x576xf32>
    %jit3A_290 = arith.constant 1.024000e+03 : f32
    %broadcast_in_dim3A_291 = vector.shape_cast %convert_element_type3A : vector<1024x1xf32> to vector<1024x1xf32>
    %broadcast_in_dim3A_292 = vector.broadcast %broadcast_in_dim3A_291 : vector<1024x1xf32> to vector<1024x576xf32>
    %broadcast_in_dim3A_293 = vector.broadcast %jit3A_290 : f32 to vector<1024x576xf32>
    %select_n3A_294 = arith.select %eq3A_289, %broadcast_in_dim3A_292, %broadcast_in_dim3A_293 : vector<1024x576xi1>, vector<1024x576xf32>
    %reduce_min3A_295 = arith.constant dense<0x7F800000> : vector<576xf32>
    %reduce_min3A_296 = vector.multi_reduction <minimumf>, %select_n3A_294, %reduce_min3A_295 [0] : vector<1024x576xf32> to vector<576xf32>
    %broadcast_in_dim3A_297 = vector.shape_cast %reduce_min3A_296 : vector<576xf32> to vector<1x576xf32>
    %convert_element_type3A_298 = arith.fptosi %broadcast_in_dim3A_297 : vector<1x576xf32> to vector<1x576xi32>
    %swap3A_299 = arith.constant 6 : index
    %swap3A_300 = arith.constant 0 : index
    %swap3A_301 = vector.load %arg3[%swap3A_299, %swap3A_300] : memref<16x576xi32, #tpu.memory_space<vmem>>, vector<1x576xi32>
    tpu.vector_store %arg3[%swap3A_299, %swap3A_300], %convert_element_type3A_298 {strides = array<i32>} : memref<16x576xi32, #tpu.memory_space<vmem>>, vector<1x576xi32>,
    %get3A_302 = arith.constant 0 : index
    %get3A_303 = arith.constant 0 : index
    %get3A_304 = memref.load %arg4[%get3A_302, %get3A_303] : memref<1x1xf32, #tpu.memory_space<smem>>
    %reduce_sum3A_305 = vector.shape_cast %broadcast_in_dim3A_287 : vector<1x576xf32> to vector<1x1x576xf32>
    %reduce_sum3A_306 = arith.constant dense<0.000000e+00> : vector<1xf32>
    %reduce_sum3A_307 = vector.multi_reduction <add>, %reduce_sum3A_305, %reduce_sum3A_306 [1, 2] : vector<1x1x576xf32> to vector<1xf32>
    %reduce_sum3A_308 = vector.shape_cast %reduce_sum3A_307 : vector<1xf32> to vector<1x1x1xf32>
    %reduce_sum3A_309 = vector.extract %reduce_sum3A_308[0, 0, 0] : f32 from vector<1x1x1xf32>
    %add3A_310 = arith.addf %get3A_304, %reduce_sum3A_309 : f32
    %swap3A_311 = arith.constant 0 : index
    %swap3A_312 = arith.constant 0 : index
    %swap3A_313 = memref.load %arg4[%swap3A_311, %swap3A_312] : memref<1x1xf32, #tpu.memory_space<smem>>
    memref.store %add3A_310, %arg4[%swap3A_311, %swap3A_312] : memref<1x1xf32, #tpu.memory_space<smem>>
    %get3A_314 = arith.constant 7 : index
    %get3A_315 = arith.constant 0 : index
    %get3A_316 = arith.constant 0 : index
    %get3A_317 = vector.load %arg1[%get3A_314, %get3A_315, %get3A_316] : memref<16x64x576xf32, #tpu.memory_space<vmem>>, vector<1x64x576xf32>
    %get3A_318 = vector.shape_cast %get3A_317 : vector<1x64x576xf32> to vector<64x576xf32>
    %mul3A_319 = arith.mulf %get3A_318, %get3A_318 : vector<64x576xf32>
    %reduce_sum3A_320 = arith.constant dense<0.000000e+00> : vector<576xf32>
    %reduce_sum3A_321 = vector.multi_reduction <add>, %mul3A_319, %reduce_sum3A_320 [0] : vector<64x576xf32> to vector<576xf32>
    %broadcast_in_dim3A_322 = vector.shape_cast %reduce_sum3A_321 : vector<576xf32> to vector<1x576xf32>
    %add3A_323 = arith.addf %get3A_318, %get3A_318 : vector<64x576xf32>
    %dot_general3A_324 = arith.constant dense<0.000000e+00> : vector<1024x576xf32>
    %dot_general3A_325 = tpu.matmul %get3A_1, %add3A_323, %dot_general3A_324 {dimension_numbers = #tpu.dot_dimension_numbers<[1], [0], [0], [1], [0, 0, 1, 1], [], []>, transpose_lhs_hint = false} : vector<1024x64xf32>, vector<64x576xf32>, vector<1024x576xf32> -> vector<1024x576xf32>
    %add3A_326 = vector.broadcast %broadcast_in_dim3A_322 : vector<1x576xf32> to vector<1024x576xf32>
    %add3A_327 = vector.broadcast %broadcast_in_dim3A : vector<1024x1xf32> to vector<1024x576xf32>
    %add3A_328 = arith.addf %add3A_326, %add3A_327 : vector<1024x576xf32>
    %sub3A_329 = arith.subf %add3A_328, %dot_general3A_325 : vector<1024x576xf32>
    %reduce_min3A_330 = arith.constant dense<0x7F800000> : vector<576xf32>
    %reduce_min3A_331 = vector.multi_reduction <minimumf>, %sub3A_329, %reduce_min3A_330 [0] : vector<1024x576xf32> to vector<576xf32>
    %broadcast_in_dim3A_332 = vector.shape_cast %reduce_min3A_331 : vector<576xf32> to vector<1x576xf32>
    %eq3A_333 = vector.broadcast %broadcast_in_dim3A_332 : vector<1x576xf32> to vector<1024x576xf32>
    %eq3A_334 = arith.cmpf oeq, %sub3A_329, %eq3A_333 : vector<1024x576xf32>
    %jit3A_335 = arith.constant 1.024000e+03 : f32
    %broadcast_in_dim3A_336 = vector.shape_cast %convert_element_type3A : vector<1024x1xf32> to vector<1024x1xf32>
    %broadcast_in_dim3A_337 = vector.broadcast %broadcast_in_dim3A_336 : vector<1024x1xf32> to vector<1024x576xf32>
    %broadcast_in_dim3A_338 = vector.broadcast %jit3A_335 : f32 to vector<1024x576xf32>
    %select_n3A_339 = arith.select %eq3A_334, %broadcast_in_dim3A_337, %broadcast_in_dim3A_338 : vector<1024x576xi1>, vector<1024x576xf32>
    %reduce_min3A_340 = arith.constant dense<0x7F800000> : vector<576xf32>
    %reduce_min3A_341 = vector.multi_reduction <minimumf>, %select_n3A_339, %reduce_min3A_340 [0] : vector<1024x576xf32> to vector<576xf32>
    %broadcast_in_dim3A_342 = vector.shape_cast %reduce_min3A_341 : vector<576xf32> to vector<1x576xf32>
    %convert_element_type3A_343 = arith.fptosi %broadcast_in_dim3A_342 : vector<1x576xf32> to vector<1x576xi32>
    %swap3A_344 = arith.constant 7 : index
    %swap3A_345 = arith.constant 0 : index
    %swap3A_346 = vector.load %arg3[%swap3A_344, %swap3A_345] : memref<16x576xi32, #tpu.memory_space<vmem>>, vector<1x576xi32>
    tpu.vector_store %arg3[%swap3A_344, %swap3A_345], %convert_element_type3A_343 {strides = array<i32>} : memref<16x576xi32, #tpu.memory_space<vmem>>, vector<1x576xi32>,
    %get3A_347 = arith.constant 0 : index
    %get3A_348 = arith.constant 0 : index
    %get3A_349 = memref.load %arg4[%get3A_347, %get3A_348] : memref<1x1xf32, #tpu.memory_space<smem>>
    %reduce_sum3A_350 = vector.shape_cast %broadcast_in_dim3A_332 : vector<1x576xf32> to vector<1x1x576xf32>
    %reduce_sum3A_351 = arith.constant dense<0.000000e+00> : vector<1xf32>
    %reduce_sum3A_352 = vector.multi_reduction <add>, %reduce_sum3A_350, %reduce_sum3A_351 [1, 2] : vector<1x1x576xf32> to vector<1xf32>
    %reduce_sum3A_353 = vector.shape_cast %reduce_sum3A_352 : vector<1xf32> to vector<1x1x1xf32>
    %reduce_sum3A_354 = vector.extract %reduce_sum3A_353[0, 0, 0] : f32 from vector<1x1x1xf32>
    %add3A_355 = arith.addf %get3A_349, %reduce_sum3A_354 : f32
    %swap3A_356 = arith.constant 0 : index
    %swap3A_357 = arith.constant 0 : index
    %swap3A_358 = memref.load %arg4[%swap3A_356, %swap3A_357] : memref<1x1xf32, #tpu.memory_space<smem>>
    memref.store %add3A_355, %arg4[%swap3A_356, %swap3A_357] : memref<1x1xf32, #tpu.memory_space<smem>>
    %get3A_359 = arith.constant 8 : index
    %get3A_360 = arith.constant 0 : index
    %get3A_361 = arith.constant 0 : index
    %get3A_362 = vector.load %arg1[%get3A_359, %get3A_360, %get3A_361] : memref<16x64x576xf32, #tpu.memory_space<vmem>>, vector<1x64x576xf32>
    %get3A_363 = vector.shape_cast %get3A_362 : vector<1x64x576xf32> to vector<64x576xf32>
    %mul3A_364 = arith.mulf %get3A_363, %get3A_363 : vector<64x576xf32>
    %reduce_sum3A_365 = arith.constant dense<0.000000e+00> : vector<576xf32>
    %reduce_sum3A_366 = vector.multi_reduction <add>, %mul3A_364, %reduce_sum3A_365 [0] : vector<64x576xf32> to vector<576xf32>
    %broadcast_in_dim3A_367 = vector.shape_cast %reduce_sum3A_366 : vector<576xf32> to vector<1x576xf32>
    %add3A_368 = arith.addf %get3A_363, %get3A_363 : vector<64x576xf32>
    %dot_general3A_369 = arith.constant dense<0.000000e+00> : vector<1024x576xf32>
    %dot_general3A_370 = tpu.matmul %get3A_1, %add3A_368, %dot_general3A_369 {dimension_numbers = #tpu.dot_dimension_numbers<[1], [0], [0], [1], [0, 0, 1, 1], [], []>, transpose_lhs_hint = false} : vector<1024x64xf32>, vector<64x576xf32>, vector<1024x576xf32> -> vector<1024x576xf32>
    %add3A_371 = vector.broadcast %broadcast_in_dim3A_367 : vector<1x576xf32> to vector<1024x576xf32>
    %add3A_372 = vector.broadcast %broadcast_in_dim3A : vector<1024x1xf32> to vector<1024x576xf32>
    %add3A_373 = arith.addf %add3A_371, %add3A_372 : vector<1024x576xf32>
    %sub3A_374 = arith.subf %add3A_373, %dot_general3A_370 : vector<1024x576xf32>
    %reduce_min3A_375 = arith.constant dense<0x7F800000> : vector<576xf32>
    %reduce_min3A_376 = vector.multi_reduction <minimumf>, %sub3A_374, %reduce_min3A_375 [0] : vector<1024x576xf32> to vector<576xf32>
    %broadcast_in_dim3A_377 = vector.shape_cast %reduce_min3A_376 : vector<576xf32> to vector<1x576xf32>
    %eq3A_378 = vector.broadcast %broadcast_in_dim3A_377 : vector<1x576xf32> to vector<1024x576xf32>
    %eq3A_379 = arith.cmpf oeq, %sub3A_374, %eq3A_378 : vector<1024x576xf32>
    %jit3A_380 = arith.constant 1.024000e+03 : f32
    %broadcast_in_dim3A_381 = vector.shape_cast %convert_element_type3A : vector<1024x1xf32> to vector<1024x1xf32>
    %broadcast_in_dim3A_382 = vector.broadcast %broadcast_in_dim3A_381 : vector<1024x1xf32> to vector<1024x576xf32>
    %broadcast_in_dim3A_383 = vector.broadcast %jit3A_380 : f32 to vector<1024x576xf32>
    %select_n3A_384 = arith.select %eq3A_379, %broadcast_in_dim3A_382, %broadcast_in_dim3A_383 : vector<1024x576xi1>, vector<1024x576xf32>
    %reduce_min3A_385 = arith.constant dense<0x7F800000> : vector<576xf32>
    %reduce_min3A_386 = vector.multi_reduction <minimumf>, %select_n3A_384, %reduce_min3A_385 [0] : vector<1024x576xf32> to vector<576xf32>
    %broadcast_in_dim3A_387 = vector.shape_cast %reduce_min3A_386 : vector<576xf32> to vector<1x576xf32>
    %convert_element_type3A_388 = arith.fptosi %broadcast_in_dim3A_387 : vector<1x576xf32> to vector<1x576xi32>
    %swap3A_389 = arith.constant 8 : index
    %swap3A_390 = arith.constant 0 : index
    %swap3A_391 = vector.load %arg3[%swap3A_389, %swap3A_390] : memref<16x576xi32, #tpu.memory_space<vmem>>, vector<1x576xi32>
    tpu.vector_store %arg3[%swap3A_389, %swap3A_390], %convert_element_type3A_388 {strides = array<i32>} : memref<16x576xi32, #tpu.memory_space<vmem>>, vector<1x576xi32>,
    %get3A_392 = arith.constant 0 : index
    %get3A_393 = arith.constant 0 : index
    %get3A_394 = memref.load %arg4[%get3A_392, %get3A_393] : memref<1x1xf32, #tpu.memory_space<smem>>
    %reduce_sum3A_395 = vector.shape_cast %broadcast_in_dim3A_377 : vector<1x576xf32> to vector<1x1x576xf32>
    %reduce_sum3A_396 = arith.constant dense<0.000000e+00> : vector<1xf32>
    %reduce_sum3A_397 = vector.multi_reduction <add>, %reduce_sum3A_395, %reduce_sum3A_396 [1, 2] : vector<1x1x576xf32> to vector<1xf32>
    %reduce_sum3A_398 = vector.shape_cast %reduce_sum3A_397 : vector<1xf32> to vector<1x1x1xf32>
    %reduce_sum3A_399 = vector.extract %reduce_sum3A_398[0, 0, 0] : f32 from vector<1x1x1xf32>
    %add3A_400 = arith.addf %get3A_394, %reduce_sum3A_399 : f32
    %swap3A_401 = arith.constant 0 : index
    %swap3A_402 = arith.constant 0 : index
    %swap3A_403 = memref.load %arg4[%swap3A_401, %swap3A_402] : memref<1x1xf32, #tpu.memory_space<smem>>
    memref.store %add3A_400, %arg4[%swap3A_401, %swap3A_402] : memref<1x1xf32, #tpu.memory_space<smem>>
    %get3A_404 = arith.constant 9 : index
    %get3A_405 = arith.constant 0 : index
    %get3A_406 = arith.constant 0 : index
    %get3A_407 = vector.load %arg1[%get3A_404, %get3A_405, %get3A_406] : memref<16x64x576xf32, #tpu.memory_space<vmem>>, vector<1x64x576xf32>
    %get3A_408 = vector.shape_cast %get3A_407 : vector<1x64x576xf32> to vector<64x576xf32>
    %mul3A_409 = arith.mulf %get3A_408, %get3A_408 : vector<64x576xf32>
    %reduce_sum3A_410 = arith.constant dense<0.000000e+00> : vector<576xf32>
    %reduce_sum3A_411 = vector.multi_reduction <add>, %mul3A_409, %reduce_sum3A_410 [0] : vector<64x576xf32> to vector<576xf32>
    %broadcast_in_dim3A_412 = vector.shape_cast %reduce_sum3A_411 : vector<576xf32> to vector<1x576xf32>
    %add3A_413 = arith.addf %get3A_408, %get3A_408 : vector<64x576xf32>
    %dot_general3A_414 = arith.constant dense<0.000000e+00> : vector<1024x576xf32>
    %dot_general3A_415 = tpu.matmul %get3A_1, %add3A_413, %dot_general3A_414 {dimension_numbers = #tpu.dot_dimension_numbers<[1], [0], [0], [1], [0, 0, 1, 1], [], []>, transpose_lhs_hint = false} : vector<1024x64xf32>, vector<64x576xf32>, vector<1024x576xf32> -> vector<1024x576xf32>
    %add3A_416 = vector.broadcast %broadcast_in_dim3A_412 : vector<1x576xf32> to vector<1024x576xf32>
    %add3A_417 = vector.broadcast %broadcast_in_dim3A : vector<1024x1xf32> to vector<1024x576xf32>
    %add3A_418 = arith.addf %add3A_416, %add3A_417 : vector<1024x576xf32>
    %sub3A_419 = arith.subf %add3A_418, %dot_general3A_415 : vector<1024x576xf32>
    %reduce_min3A_420 = arith.constant dense<0x7F800000> : vector<576xf32>
    %reduce_min3A_421 = vector.multi_reduction <minimumf>, %sub3A_419, %reduce_min3A_420 [0] : vector<1024x576xf32> to vector<576xf32>
    %broadcast_in_dim3A_422 = vector.shape_cast %reduce_min3A_421 : vector<576xf32> to vector<1x576xf32>
    %eq3A_423 = vector.broadcast %broadcast_in_dim3A_422 : vector<1x576xf32> to vector<1024x576xf32>
    %eq3A_424 = arith.cmpf oeq, %sub3A_419, %eq3A_423 : vector<1024x576xf32>
    %jit3A_425 = arith.constant 1.024000e+03 : f32
    %broadcast_in_dim3A_426 = vector.shape_cast %convert_element_type3A : vector<1024x1xf32> to vector<1024x1xf32>
    %broadcast_in_dim3A_427 = vector.broadcast %broadcast_in_dim3A_426 : vector<1024x1xf32> to vector<1024x576xf32>
    %broadcast_in_dim3A_428 = vector.broadcast %jit3A_425 : f32 to vector<1024x576xf32>
    %select_n3A_429 = arith.select %eq3A_424, %broadcast_in_dim3A_427, %broadcast_in_dim3A_428 : vector<1024x576xi1>, vector<1024x576xf32>
    %reduce_min3A_430 = arith.constant dense<0x7F800000> : vector<576xf32>
    %reduce_min3A_431 = vector.multi_reduction <minimumf>, %select_n3A_429, %reduce_min3A_430 [0] : vector<1024x576xf32> to vector<576xf32>
    %broadcast_in_dim3A_432 = vector.shape_cast %reduce_min3A_431 : vector<576xf32> to vector<1x576xf32>
    %convert_element_type3A_433 = arith.fptosi %broadcast_in_dim3A_432 : vector<1x576xf32> to vector<1x576xi32>
    %swap3A_434 = arith.constant 9 : index
    %swap3A_435 = arith.constant 0 : index
    %swap3A_436 = vector.load %arg3[%swap3A_434, %swap3A_435] : memref<16x576xi32, #tpu.memory_space<vmem>>, vector<1x576xi32>
    tpu.vector_store %arg3[%swap3A_434, %swap3A_435], %convert_element_type3A_433 {strides = array<i32>} : memref<16x576xi32, #tpu.memory_space<vmem>>, vector<1x576xi32>,
    %get3A_437 = arith.constant 0 : index
    %get3A_438 = arith.constant 0 : index
    %get3A_439 = memref.load %arg4[%get3A_437, %get3A_438] : memref<1x1xf32, #tpu.memory_space<smem>>
    %reduce_sum3A_440 = vector.shape_cast %broadcast_in_dim3A_422 : vector<1x576xf32> to vector<1x1x576xf32>
    %reduce_sum3A_441 = arith.constant dense<0.000000e+00> : vector<1xf32>
    %reduce_sum3A_442 = vector.multi_reduction <add>, %reduce_sum3A_440, %reduce_sum3A_441 [1, 2] : vector<1x1x576xf32> to vector<1xf32>
    %reduce_sum3A_443 = vector.shape_cast %reduce_sum3A_442 : vector<1xf32> to vector<1x1x1xf32>
    %reduce_sum3A_444 = vector.extract %reduce_sum3A_443[0, 0, 0] : f32 from vector<1x1x1xf32>
    %add3A_445 = arith.addf %get3A_439, %reduce_sum3A_444 : f32
    %swap3A_446 = arith.constant 0 : index
    %swap3A_447 = arith.constant 0 : index
    %swap3A_448 = memref.load %arg4[%swap3A_446, %swap3A_447] : memref<1x1xf32, #tpu.memory_space<smem>>
    memref.store %add3A_445, %arg4[%swap3A_446, %swap3A_447] : memref<1x1xf32, #tpu.memory_space<smem>>
    %get3A_449 = arith.constant 10 : index
    %get3A_450 = arith.constant 0 : index
    %get3A_451 = arith.constant 0 : index
    %get3A_452 = vector.load %arg1[%get3A_449, %get3A_450, %get3A_451] : memref<16x64x576xf32, #tpu.memory_space<vmem>>, vector<1x64x576xf32>
    %get3A_453 = vector.shape_cast %get3A_452 : vector<1x64x576xf32> to vector<64x576xf32>
    %mul3A_454 = arith.mulf %get3A_453, %get3A_453 : vector<64x576xf32>
    %reduce_sum3A_455 = arith.constant dense<0.000000e+00> : vector<576xf32>
    %reduce_sum3A_456 = vector.multi_reduction <add>, %mul3A_454, %reduce_sum3A_455 [0] : vector<64x576xf32> to vector<576xf32>
    %broadcast_in_dim3A_457 = vector.shape_cast %reduce_sum3A_456 : vector<576xf32> to vector<1x576xf32>
    %add3A_458 = arith.addf %get3A_453, %get3A_453 : vector<64x576xf32>
    %dot_general3A_459 = arith.constant dense<0.000000e+00> : vector<1024x576xf32>
    %dot_general3A_460 = tpu.matmul %get3A_1, %add3A_458, %dot_general3A_459 {dimension_numbers = #tpu.dot_dimension_numbers<[1], [0], [0], [1], [0, 0, 1, 1], [], []>, transpose_lhs_hint = false} : vector<1024x64xf32>, vector<64x576xf32>, vector<1024x576xf32> -> vector<1024x576xf32>
    %add3A_461 = vector.broadcast %broadcast_in_dim3A_457 : vector<1x576xf32> to vector<1024x576xf32>
    %add3A_462 = vector.broadcast %broadcast_in_dim3A : vector<1024x1xf32> to vector<1024x576xf32>
    %add3A_463 = arith.addf %add3A_461, %add3A_462 : vector<1024x576xf32>
    %sub3A_464 = arith.subf %add3A_463, %dot_general3A_460 : vector<1024x576xf32>
    %reduce_min3A_465 = arith.constant dense<0x7F800000> : vector<576xf32>
    %reduce_min3A_466 = vector.multi_reduction <minimumf>, %sub3A_464, %reduce_min3A_465 [0] : vector<1024x576xf32> to vector<576xf32>
    %broadcast_in_dim3A_467 = vector.shape_cast %reduce_min3A_466 : vector<576xf32> to vector<1x576xf32>
    %eq3A_468 = vector.broadcast %broadcast_in_dim3A_467 : vector<1x576xf32> to vector<1024x576xf32>
    %eq3A_469 = arith.cmpf oeq, %sub3A_464, %eq3A_468 : vector<1024x576xf32>
    %jit3A_470 = arith.constant 1.024000e+03 : f32
    %broadcast_in_dim3A_471 = vector.shape_cast %convert_element_type3A : vector<1024x1xf32> to vector<1024x1xf32>
    %broadcast_in_dim3A_472 = vector.broadcast %broadcast_in_dim3A_471 : vector<1024x1xf32> to vector<1024x576xf32>
    %broadcast_in_dim3A_473 = vector.broadcast %jit3A_470 : f32 to vector<1024x576xf32>
    %select_n3A_474 = arith.select %eq3A_469, %broadcast_in_dim3A_472, %broadcast_in_dim3A_473 : vector<1024x576xi1>, vector<1024x576xf32>
    %reduce_min3A_475 = arith.constant dense<0x7F800000> : vector<576xf32>
    %reduce_min3A_476 = vector.multi_reduction <minimumf>, %select_n3A_474, %reduce_min3A_475 [0] : vector<1024x576xf32> to vector<576xf32>
    %broadcast_in_dim3A_477 = vector.shape_cast %reduce_min3A_476 : vector<576xf32> to vector<1x576xf32>
    %convert_element_type3A_478 = arith.fptosi %broadcast_in_dim3A_477 : vector<1x576xf32> to vector<1x576xi32>
    %swap3A_479 = arith.constant 10 : index
    %swap3A_480 = arith.constant 0 : index
    %swap3A_481 = vector.load %arg3[%swap3A_479, %swap3A_480] : memref<16x576xi32, #tpu.memory_space<vmem>>, vector<1x576xi32>
    tpu.vector_store %arg3[%swap3A_479, %swap3A_480], %convert_element_type3A_478 {strides = array<i32>} : memref<16x576xi32, #tpu.memory_space<vmem>>, vector<1x576xi32>,
    %get3A_482 = arith.constant 0 : index
    %get3A_483 = arith.constant 0 : index
    %get3A_484 = memref.load %arg4[%get3A_482, %get3A_483] : memref<1x1xf32, #tpu.memory_space<smem>>
    %reduce_sum3A_485 = vector.shape_cast %broadcast_in_dim3A_467 : vector<1x576xf32> to vector<1x1x576xf32>
    %reduce_sum3A_486 = arith.constant dense<0.000000e+00> : vector<1xf32>
    %reduce_sum3A_487 = vector.multi_reduction <add>, %reduce_sum3A_485, %reduce_sum3A_486 [1, 2] : vector<1x1x576xf32> to vector<1xf32>
    %reduce_sum3A_488 = vector.shape_cast %reduce_sum3A_487 : vector<1xf32> to vector<1x1x1xf32>
    %reduce_sum3A_489 = vector.extract %reduce_sum3A_488[0, 0, 0] : f32 from vector<1x1x1xf32>
    %add3A_490 = arith.addf %get3A_484, %reduce_sum3A_489 : f32
    %swap3A_491 = arith.constant 0 : index
    %swap3A_492 = arith.constant 0 : index
    %swap3A_493 = memref.load %arg4[%swap3A_491, %swap3A_492] : memref<1x1xf32, #tpu.memory_space<smem>>
    memref.store %add3A_490, %arg4[%swap3A_491, %swap3A_492] : memref<1x1xf32, #tpu.memory_space<smem>>
    %get3A_494 = arith.constant 11 : index
    %get3A_495 = arith.constant 0 : index
    %get3A_496 = arith.constant 0 : index
    %get3A_497 = vector.load %arg1[%get3A_494, %get3A_495, %get3A_496] : memref<16x64x576xf32, #tpu.memory_space<vmem>>, vector<1x64x576xf32>
    %get3A_498 = vector.shape_cast %get3A_497 : vector<1x64x576xf32> to vector<64x576xf32>
    %mul3A_499 = arith.mulf %get3A_498, %get3A_498 : vector<64x576xf32>
    %reduce_sum3A_500 = arith.constant dense<0.000000e+00> : vector<576xf32>
    %reduce_sum3A_501 = vector.multi_reduction <add>, %mul3A_499, %reduce_sum3A_500 [0] : vector<64x576xf32> to vector<576xf32>
    %broadcast_in_dim3A_502 = vector.shape_cast %reduce_sum3A_501 : vector<576xf32> to vector<1x576xf32>
    %add3A_503 = arith.addf %get3A_498, %get3A_498 : vector<64x576xf32>
    %dot_general3A_504 = arith.constant dense<0.000000e+00> : vector<1024x576xf32>
    %dot_general3A_505 = tpu.matmul %get3A_1, %add3A_503, %dot_general3A_504 {dimension_numbers = #tpu.dot_dimension_numbers<[1], [0], [0], [1], [0, 0, 1, 1], [], []>, transpose_lhs_hint = false} : vector<1024x64xf32>, vector<64x576xf32>, vector<1024x576xf32> -> vector<1024x576xf32>
    %add3A_506 = vector.broadcast %broadcast_in_dim3A_502 : vector<1x576xf32> to vector<1024x576xf32>
    %add3A_507 = vector.broadcast %broadcast_in_dim3A : vector<1024x1xf32> to vector<1024x576xf32>
    %add3A_508 = arith.addf %add3A_506, %add3A_507 : vector<1024x576xf32>
    %sub3A_509 = arith.subf %add3A_508, %dot_general3A_505 : vector<1024x576xf32>
    %reduce_min3A_510 = arith.constant dense<0x7F800000> : vector<576xf32>
    %reduce_min3A_511 = vector.multi_reduction <minimumf>, %sub3A_509, %reduce_min3A_510 [0] : vector<1024x576xf32> to vector<576xf32>
    %broadcast_in_dim3A_512 = vector.shape_cast %reduce_min3A_511 : vector<576xf32> to vector<1x576xf32>
    %eq3A_513 = vector.broadcast %broadcast_in_dim3A_512 : vector<1x576xf32> to vector<1024x576xf32>
    %eq3A_514 = arith.cmpf oeq, %sub3A_509, %eq3A_513 : vector<1024x576xf32>
    %jit3A_515 = arith.constant 1.024000e+03 : f32
    %broadcast_in_dim3A_516 = vector.shape_cast %convert_element_type3A : vector<1024x1xf32> to vector<1024x1xf32>
    %broadcast_in_dim3A_517 = vector.broadcast %broadcast_in_dim3A_516 : vector<1024x1xf32> to vector<1024x576xf32>
    %broadcast_in_dim3A_518 = vector.broadcast %jit3A_515 : f32 to vector<1024x576xf32>
    %select_n3A_519 = arith.select %eq3A_514, %broadcast_in_dim3A_517, %broadcast_in_dim3A_518 : vector<1024x576xi1>, vector<1024x576xf32>
    %reduce_min3A_520 = arith.constant dense<0x7F800000> : vector<576xf32>
    %reduce_min3A_521 = vector.multi_reduction <minimumf>, %select_n3A_519, %reduce_min3A_520 [0] : vector<1024x576xf32> to vector<576xf32>
    %broadcast_in_dim3A_522 = vector.shape_cast %reduce_min3A_521 : vector<576xf32> to vector<1x576xf32>
    %convert_element_type3A_523 = arith.fptosi %broadcast_in_dim3A_522 : vector<1x576xf32> to vector<1x576xi32>
    %swap3A_524 = arith.constant 11 : index
    %swap3A_525 = arith.constant 0 : index
    %swap3A_526 = vector.load %arg3[%swap3A_524, %swap3A_525] : memref<16x576xi32, #tpu.memory_space<vmem>>, vector<1x576xi32>
    tpu.vector_store %arg3[%swap3A_524, %swap3A_525], %convert_element_type3A_523 {strides = array<i32>} : memref<16x576xi32, #tpu.memory_space<vmem>>, vector<1x576xi32>,
    %get3A_527 = arith.constant 0 : index
    %get3A_528 = arith.constant 0 : index
    %get3A_529 = memref.load %arg4[%get3A_527, %get3A_528] : memref<1x1xf32, #tpu.memory_space<smem>>
    %reduce_sum3A_530 = vector.shape_cast %broadcast_in_dim3A_512 : vector<1x576xf32> to vector<1x1x576xf32>
    %reduce_sum3A_531 = arith.constant dense<0.000000e+00> : vector<1xf32>
    %reduce_sum3A_532 = vector.multi_reduction <add>, %reduce_sum3A_530, %reduce_sum3A_531 [1, 2] : vector<1x1x576xf32> to vector<1xf32>
    %reduce_sum3A_533 = vector.shape_cast %reduce_sum3A_532 : vector<1xf32> to vector<1x1x1xf32>
    %reduce_sum3A_534 = vector.extract %reduce_sum3A_533[0, 0, 0] : f32 from vector<1x1x1xf32>
    %add3A_535 = arith.addf %get3A_529, %reduce_sum3A_534 : f32
    %swap3A_536 = arith.constant 0 : index
    %swap3A_537 = arith.constant 0 : index
    %swap3A_538 = memref.load %arg4[%swap3A_536, %swap3A_537] : memref<1x1xf32, #tpu.memory_space<smem>>
    memref.store %add3A_535, %arg4[%swap3A_536, %swap3A_537] : memref<1x1xf32, #tpu.memory_space<smem>>
    %get3A_539 = arith.constant 12 : index
    %get3A_540 = arith.constant 0 : index
    %get3A_541 = arith.constant 0 : index
    %get3A_542 = vector.load %arg1[%get3A_539, %get3A_540, %get3A_541] : memref<16x64x576xf32, #tpu.memory_space<vmem>>, vector<1x64x576xf32>
    %get3A_543 = vector.shape_cast %get3A_542 : vector<1x64x576xf32> to vector<64x576xf32>
    %mul3A_544 = arith.mulf %get3A_543, %get3A_543 : vector<64x576xf32>
    %reduce_sum3A_545 = arith.constant dense<0.000000e+00> : vector<576xf32>
    %reduce_sum3A_546 = vector.multi_reduction <add>, %mul3A_544, %reduce_sum3A_545 [0] : vector<64x576xf32> to vector<576xf32>
    %broadcast_in_dim3A_547 = vector.shape_cast %reduce_sum3A_546 : vector<576xf32> to vector<1x576xf32>
    %add3A_548 = arith.addf %get3A_543, %get3A_543 : vector<64x576xf32>
    %dot_general3A_549 = arith.constant dense<0.000000e+00> : vector<1024x576xf32>
    %dot_general3A_550 = tpu.matmul %get3A_1, %add3A_548, %dot_general3A_549 {dimension_numbers = #tpu.dot_dimension_numbers<[1], [0], [0], [1], [0, 0, 1, 1], [], []>, transpose_lhs_hint = false} : vector<1024x64xf32>, vector<64x576xf32>, vector<1024x576xf32> -> vector<1024x576xf32>
    %add3A_551 = vector.broadcast %broadcast_in_dim3A_547 : vector<1x576xf32> to vector<1024x576xf32>
    %add3A_552 = vector.broadcast %broadcast_in_dim3A : vector<1024x1xf32> to vector<1024x576xf32>
    %add3A_553 = arith.addf %add3A_551, %add3A_552 : vector<1024x576xf32>
    %sub3A_554 = arith.subf %add3A_553, %dot_general3A_550 : vector<1024x576xf32>
    %reduce_min3A_555 = arith.constant dense<0x7F800000> : vector<576xf32>
    %reduce_min3A_556 = vector.multi_reduction <minimumf>, %sub3A_554, %reduce_min3A_555 [0] : vector<1024x576xf32> to vector<576xf32>
    %broadcast_in_dim3A_557 = vector.shape_cast %reduce_min3A_556 : vector<576xf32> to vector<1x576xf32>
    %eq3A_558 = vector.broadcast %broadcast_in_dim3A_557 : vector<1x576xf32> to vector<1024x576xf32>
    %eq3A_559 = arith.cmpf oeq, %sub3A_554, %eq3A_558 : vector<1024x576xf32>
    %jit3A_560 = arith.constant 1.024000e+03 : f32
    %broadcast_in_dim3A_561 = vector.shape_cast %convert_element_type3A : vector<1024x1xf32> to vector<1024x1xf32>
    %broadcast_in_dim3A_562 = vector.broadcast %broadcast_in_dim3A_561 : vector<1024x1xf32> to vector<1024x576xf32>
    %broadcast_in_dim3A_563 = vector.broadcast %jit3A_560 : f32 to vector<1024x576xf32>
    %select_n3A_564 = arith.select %eq3A_559, %broadcast_in_dim3A_562, %broadcast_in_dim3A_563 : vector<1024x576xi1>, vector<1024x576xf32>
    %reduce_min3A_565 = arith.constant dense<0x7F800000> : vector<576xf32>
    %reduce_min3A_566 = vector.multi_reduction <minimumf>, %select_n3A_564, %reduce_min3A_565 [0] : vector<1024x576xf32> to vector<576xf32>
    %broadcast_in_dim3A_567 = vector.shape_cast %reduce_min3A_566 : vector<576xf32> to vector<1x576xf32>
    %convert_element_type3A_568 = arith.fptosi %broadcast_in_dim3A_567 : vector<1x576xf32> to vector<1x576xi32>
    %swap3A_569 = arith.constant 12 : index
    %swap3A_570 = arith.constant 0 : index
    %swap3A_571 = vector.load %arg3[%swap3A_569, %swap3A_570] : memref<16x576xi32, #tpu.memory_space<vmem>>, vector<1x576xi32>
    tpu.vector_store %arg3[%swap3A_569, %swap3A_570], %convert_element_type3A_568 {strides = array<i32>} : memref<16x576xi32, #tpu.memory_space<vmem>>, vector<1x576xi32>,
    %get3A_572 = arith.constant 0 : index
    %get3A_573 = arith.constant 0 : index
    %get3A_574 = memref.load %arg4[%get3A_572, %get3A_573] : memref<1x1xf32, #tpu.memory_space<smem>>
    %reduce_sum3A_575 = vector.shape_cast %broadcast_in_dim3A_557 : vector<1x576xf32> to vector<1x1x576xf32>
    %reduce_sum3A_576 = arith.constant dense<0.000000e+00> : vector<1xf32>
    %reduce_sum3A_577 = vector.multi_reduction <add>, %reduce_sum3A_575, %reduce_sum3A_576 [1, 2] : vector<1x1x576xf32> to vector<1xf32>
    %reduce_sum3A_578 = vector.shape_cast %reduce_sum3A_577 : vector<1xf32> to vector<1x1x1xf32>
    %reduce_sum3A_579 = vector.extract %reduce_sum3A_578[0, 0, 0] : f32 from vector<1x1x1xf32>
    %add3A_580 = arith.addf %get3A_574, %reduce_sum3A_579 : f32
    %swap3A_581 = arith.constant 0 : index
    %swap3A_582 = arith.constant 0 : index
    %swap3A_583 = memref.load %arg4[%swap3A_581, %swap3A_582] : memref<1x1xf32, #tpu.memory_space<smem>>
    memref.store %add3A_580, %arg4[%swap3A_581, %swap3A_582] : memref<1x1xf32, #tpu.memory_space<smem>>
    %get3A_584 = arith.constant 13 : index
    %get3A_585 = arith.constant 0 : index
    %get3A_586 = arith.constant 0 : index
    %get3A_587 = vector.load %arg1[%get3A_584, %get3A_585, %get3A_586] : memref<16x64x576xf32, #tpu.memory_space<vmem>>, vector<1x64x576xf32>
    %get3A_588 = vector.shape_cast %get3A_587 : vector<1x64x576xf32> to vector<64x576xf32>
    %mul3A_589 = arith.mulf %get3A_588, %get3A_588 : vector<64x576xf32>
    %reduce_sum3A_590 = arith.constant dense<0.000000e+00> : vector<576xf32>
    %reduce_sum3A_591 = vector.multi_reduction <add>, %mul3A_589, %reduce_sum3A_590 [0] : vector<64x576xf32> to vector<576xf32>
    %broadcast_in_dim3A_592 = vector.shape_cast %reduce_sum3A_591 : vector<576xf32> to vector<1x576xf32>
    %add3A_593 = arith.addf %get3A_588, %get3A_588 : vector<64x576xf32>
    %dot_general3A_594 = arith.constant dense<0.000000e+00> : vector<1024x576xf32>
    %dot_general3A_595 = tpu.matmul %get3A_1, %add3A_593, %dot_general3A_594 {dimension_numbers = #tpu.dot_dimension_numbers<[1], [0], [0], [1], [0, 0, 1, 1], [], []>, transpose_lhs_hint = false} : vector<1024x64xf32>, vector<64x576xf32>, vector<1024x576xf32> -> vector<1024x576xf32>
    %add3A_596 = vector.broadcast %broadcast_in_dim3A_592 : vector<1x576xf32> to vector<1024x576xf32>
    %add3A_597 = vector.broadcast %broadcast_in_dim3A : vector<1024x1xf32> to vector<1024x576xf32>
    %add3A_598 = arith.addf %add3A_596, %add3A_597 : vector<1024x576xf32>
    %sub3A_599 = arith.subf %add3A_598, %dot_general3A_595 : vector<1024x576xf32>
    %reduce_min3A_600 = arith.constant dense<0x7F800000> : vector<576xf32>
    %reduce_min3A_601 = vector.multi_reduction <minimumf>, %sub3A_599, %reduce_min3A_600 [0] : vector<1024x576xf32> to vector<576xf32>
    %broadcast_in_dim3A_602 = vector.shape_cast %reduce_min3A_601 : vector<576xf32> to vector<1x576xf32>
    %eq3A_603 = vector.broadcast %broadcast_in_dim3A_602 : vector<1x576xf32> to vector<1024x576xf32>
    %eq3A_604 = arith.cmpf oeq, %sub3A_599, %eq3A_603 : vector<1024x576xf32>
    %jit3A_605 = arith.constant 1.024000e+03 : f32
    %broadcast_in_dim3A_606 = vector.shape_cast %convert_element_type3A : vector<1024x1xf32> to vector<1024x1xf32>
    %broadcast_in_dim3A_607 = vector.broadcast %broadcast_in_dim3A_606 : vector<1024x1xf32> to vector<1024x576xf32>
    %broadcast_in_dim3A_608 = vector.broadcast %jit3A_605 : f32 to vector<1024x576xf32>
    %select_n3A_609 = arith.select %eq3A_604, %broadcast_in_dim3A_607, %broadcast_in_dim3A_608 : vector<1024x576xi1>, vector<1024x576xf32>
    %reduce_min3A_610 = arith.constant dense<0x7F800000> : vector<576xf32>
    %reduce_min3A_611 = vector.multi_reduction <minimumf>, %select_n3A_609, %reduce_min3A_610 [0] : vector<1024x576xf32> to vector<576xf32>
    %broadcast_in_dim3A_612 = vector.shape_cast %reduce_min3A_611 : vector<576xf32> to vector<1x576xf32>
    %convert_element_type3A_613 = arith.fptosi %broadcast_in_dim3A_612 : vector<1x576xf32> to vector<1x576xi32>
    %swap3A_614 = arith.constant 13 : index
    %swap3A_615 = arith.constant 0 : index
    %swap3A_616 = vector.load %arg3[%swap3A_614, %swap3A_615] : memref<16x576xi32, #tpu.memory_space<vmem>>, vector<1x576xi32>
    tpu.vector_store %arg3[%swap3A_614, %swap3A_615], %convert_element_type3A_613 {strides = array<i32>} : memref<16x576xi32, #tpu.memory_space<vmem>>, vector<1x576xi32>,
    %get3A_617 = arith.constant 0 : index
    %get3A_618 = arith.constant 0 : index
    %get3A_619 = memref.load %arg4[%get3A_617, %get3A_618] : memref<1x1xf32, #tpu.memory_space<smem>>
    %reduce_sum3A_620 = vector.shape_cast %broadcast_in_dim3A_602 : vector<1x576xf32> to vector<1x1x576xf32>
    %reduce_sum3A_621 = arith.constant dense<0.000000e+00> : vector<1xf32>
    %reduce_sum3A_622 = vector.multi_reduction <add>, %reduce_sum3A_620, %reduce_sum3A_621 [1, 2] : vector<1x1x576xf32> to vector<1xf32>
    %reduce_sum3A_623 = vector.shape_cast %reduce_sum3A_622 : vector<1xf32> to vector<1x1x1xf32>
    %reduce_sum3A_624 = vector.extract %reduce_sum3A_623[0, 0, 0] : f32 from vector<1x1x1xf32>
    %add3A_625 = arith.addf %get3A_619, %reduce_sum3A_624 : f32
    %swap3A_626 = arith.constant 0 : index
    %swap3A_627 = arith.constant 0 : index
    %swap3A_628 = memref.load %arg4[%swap3A_626, %swap3A_627] : memref<1x1xf32, #tpu.memory_space<smem>>
    memref.store %add3A_625, %arg4[%swap3A_626, %swap3A_627] : memref<1x1xf32, #tpu.memory_space<smem>>
    %get3A_629 = arith.constant 14 : index
    %get3A_630 = arith.constant 0 : index
    %get3A_631 = arith.constant 0 : index
    %get3A_632 = vector.load %arg1[%get3A_629, %get3A_630, %get3A_631] : memref<16x64x576xf32, #tpu.memory_space<vmem>>, vector<1x64x576xf32>
    %get3A_633 = vector.shape_cast %get3A_632 : vector<1x64x576xf32> to vector<64x576xf32>
    %mul3A_634 = arith.mulf %get3A_633, %get3A_633 : vector<64x576xf32>
    %reduce_sum3A_635 = arith.constant dense<0.000000e+00> : vector<576xf32>
    %reduce_sum3A_636 = vector.multi_reduction <add>, %mul3A_634, %reduce_sum3A_635 [0] : vector<64x576xf32> to vector<576xf32>
    %broadcast_in_dim3A_637 = vector.shape_cast %reduce_sum3A_636 : vector<576xf32> to vector<1x576xf32>
    %add3A_638 = arith.addf %get3A_633, %get3A_633 : vector<64x576xf32>
    %dot_general3A_639 = arith.constant dense<0.000000e+00> : vector<1024x576xf32>
    %dot_general3A_640 = tpu.matmul %get3A_1, %add3A_638, %dot_general3A_639 {dimension_numbers = #tpu.dot_dimension_numbers<[1], [0], [0], [1], [0, 0, 1, 1], [], []>, transpose_lhs_hint = false} : vector<1024x64xf32>, vector<64x576xf32>, vector<1024x576xf32> -> vector<1024x576xf32>
    %add3A_641 = vector.broadcast %broadcast_in_dim3A_637 : vector<1x576xf32> to vector<1024x576xf32>
    %add3A_642 = vector.broadcast %broadcast_in_dim3A : vector<1024x1xf32> to vector<1024x576xf32>
    %add3A_643 = arith.addf %add3A_641, %add3A_642 : vector<1024x576xf32>
    %sub3A_644 = arith.subf %add3A_643, %dot_general3A_640 : vector<1024x576xf32>
    %reduce_min3A_645 = arith.constant dense<0x7F800000> : vector<576xf32>
    %reduce_min3A_646 = vector.multi_reduction <minimumf>, %sub3A_644, %reduce_min3A_645 [0] : vector<1024x576xf32> to vector<576xf32>
    %broadcast_in_dim3A_647 = vector.shape_cast %reduce_min3A_646 : vector<576xf32> to vector<1x576xf32>
    %eq3A_648 = vector.broadcast %broadcast_in_dim3A_647 : vector<1x576xf32> to vector<1024x576xf32>
    %eq3A_649 = arith.cmpf oeq, %sub3A_644, %eq3A_648 : vector<1024x576xf32>
    %jit3A_650 = arith.constant 1.024000e+03 : f32
    %broadcast_in_dim3A_651 = vector.shape_cast %convert_element_type3A : vector<1024x1xf32> to vector<1024x1xf32>
    %broadcast_in_dim3A_652 = vector.broadcast %broadcast_in_dim3A_651 : vector<1024x1xf32> to vector<1024x576xf32>
    %broadcast_in_dim3A_653 = vector.broadcast %jit3A_650 : f32 to vector<1024x576xf32>
    %select_n3A_654 = arith.select %eq3A_649, %broadcast_in_dim3A_652, %broadcast_in_dim3A_653 : vector<1024x576xi1>, vector<1024x576xf32>
    %reduce_min3A_655 = arith.constant dense<0x7F800000> : vector<576xf32>
    %reduce_min3A_656 = vector.multi_reduction <minimumf>, %select_n3A_654, %reduce_min3A_655 [0] : vector<1024x576xf32> to vector<576xf32>
    %broadcast_in_dim3A_657 = vector.shape_cast %reduce_min3A_656 : vector<576xf32> to vector<1x576xf32>
    %convert_element_type3A_658 = arith.fptosi %broadcast_in_dim3A_657 : vector<1x576xf32> to vector<1x576xi32>
    %swap3A_659 = arith.constant 14 : index
    %swap3A_660 = arith.constant 0 : index
    %swap3A_661 = vector.load %arg3[%swap3A_659, %swap3A_660] : memref<16x576xi32, #tpu.memory_space<vmem>>, vector<1x576xi32>
    tpu.vector_store %arg3[%swap3A_659, %swap3A_660], %convert_element_type3A_658 {strides = array<i32>} : memref<16x576xi32, #tpu.memory_space<vmem>>, vector<1x576xi32>,
    %get3A_662 = arith.constant 0 : index
    %get3A_663 = arith.constant 0 : index
    %get3A_664 = memref.load %arg4[%get3A_662, %get3A_663] : memref<1x1xf32, #tpu.memory_space<smem>>
    %reduce_sum3A_665 = vector.shape_cast %broadcast_in_dim3A_647 : vector<1x576xf32> to vector<1x1x576xf32>
    %reduce_sum3A_666 = arith.constant dense<0.000000e+00> : vector<1xf32>
    %reduce_sum3A_667 = vector.multi_reduction <add>, %reduce_sum3A_665, %reduce_sum3A_666 [1, 2] : vector<1x1x576xf32> to vector<1xf32>
    %reduce_sum3A_668 = vector.shape_cast %reduce_sum3A_667 : vector<1xf32> to vector<1x1x1xf32>
    %reduce_sum3A_669 = vector.extract %reduce_sum3A_668[0, 0, 0] : f32 from vector<1x1x1xf32>
    %add3A_670 = arith.addf %get3A_664, %reduce_sum3A_669 : f32
    %swap3A_671 = arith.constant 0 : index
    %swap3A_672 = arith.constant 0 : index
    %swap3A_673 = memref.load %arg4[%swap3A_671, %swap3A_672] : memref<1x1xf32, #tpu.memory_space<smem>>
    memref.store %add3A_670, %arg4[%swap3A_671, %swap3A_672] : memref<1x1xf32, #tpu.memory_space<smem>>
    %get3A_674 = arith.constant 15 : index
    %get3A_675 = arith.constant 0 : index
    %get3A_676 = arith.constant 0 : index
    %get3A_677 = vector.load %arg1[%get3A_674, %get3A_675, %get3A_676] : memref<16x64x576xf32, #tpu.memory_space<vmem>>, vector<1x64x576xf32>
    %get3A_678 = vector.shape_cast %get3A_677 : vector<1x64x576xf32> to vector<64x576xf32>
    %mul3A_679 = arith.mulf %get3A_678, %get3A_678 : vector<64x576xf32>
    %reduce_sum3A_680 = arith.constant dense<0.000000e+00> : vector<576xf32>
    %reduce_sum3A_681 = vector.multi_reduction <add>, %mul3A_679, %reduce_sum3A_680 [0] : vector<64x576xf32> to vector<576xf32>
    %broadcast_in_dim3A_682 = vector.shape_cast %reduce_sum3A_681 : vector<576xf32> to vector<1x576xf32>
    %add3A_683 = arith.addf %get3A_678, %get3A_678 : vector<64x576xf32>
    %dot_general3A_684 = arith.constant dense<0.000000e+00> : vector<1024x576xf32>
    %dot_general3A_685 = tpu.matmul %get3A_1, %add3A_683, %dot_general3A_684 {dimension_numbers = #tpu.dot_dimension_numbers<[1], [0], [0], [1], [0, 0, 1, 1], [], []>, transpose_lhs_hint = false} : vector<1024x64xf32>, vector<64x576xf32>, vector<1024x576xf32> -> vector<1024x576xf32>
    %add3A_686 = vector.broadcast %broadcast_in_dim3A_682 : vector<1x576xf32> to vector<1024x576xf32>
    %add3A_687 = vector.broadcast %broadcast_in_dim3A : vector<1024x1xf32> to vector<1024x576xf32>
    %add3A_688 = arith.addf %add3A_686, %add3A_687 : vector<1024x576xf32>
    %sub3A_689 = arith.subf %add3A_688, %dot_general3A_685 : vector<1024x576xf32>
    %reduce_min3A_690 = arith.constant dense<0x7F800000> : vector<576xf32>
    %reduce_min3A_691 = vector.multi_reduction <minimumf>, %sub3A_689, %reduce_min3A_690 [0] : vector<1024x576xf32> to vector<576xf32>
    %broadcast_in_dim3A_692 = vector.shape_cast %reduce_min3A_691 : vector<576xf32> to vector<1x576xf32>
    %eq3A_693 = vector.broadcast %broadcast_in_dim3A_692 : vector<1x576xf32> to vector<1024x576xf32>
    %eq3A_694 = arith.cmpf oeq, %sub3A_689, %eq3A_693 : vector<1024x576xf32>
    %jit3A_695 = arith.constant 1.024000e+03 : f32
    %broadcast_in_dim3A_696 = vector.shape_cast %convert_element_type3A : vector<1024x1xf32> to vector<1024x1xf32>
    %broadcast_in_dim3A_697 = vector.broadcast %broadcast_in_dim3A_696 : vector<1024x1xf32> to vector<1024x576xf32>
    %broadcast_in_dim3A_698 = vector.broadcast %jit3A_695 : f32 to vector<1024x576xf32>
    %select_n3A_699 = arith.select %eq3A_694, %broadcast_in_dim3A_697, %broadcast_in_dim3A_698 : vector<1024x576xi1>, vector<1024x576xf32>
    %reduce_min3A_700 = arith.constant dense<0x7F800000> : vector<576xf32>
    %reduce_min3A_701 = vector.multi_reduction <minimumf>, %select_n3A_699, %reduce_min3A_700 [0] : vector<1024x576xf32> to vector<576xf32>
    %broadcast_in_dim3A_702 = vector.shape_cast %reduce_min3A_701 : vector<576xf32> to vector<1x576xf32>
    %convert_element_type3A_703 = arith.fptosi %broadcast_in_dim3A_702 : vector<1x576xf32> to vector<1x576xi32>
    %swap3A_704 = arith.constant 15 : index
    %swap3A_705 = arith.constant 0 : index
    %swap3A_706 = vector.load %arg3[%swap3A_704, %swap3A_705] : memref<16x576xi32, #tpu.memory_space<vmem>>, vector<1x576xi32>
    tpu.vector_store %arg3[%swap3A_704, %swap3A_705], %convert_element_type3A_703 {strides = array<i32>} : memref<16x576xi32, #tpu.memory_space<vmem>>, vector<1x576xi32>,
    %get3A_707 = arith.constant 0 : index
    %get3A_708 = arith.constant 0 : index
    %get3A_709 = memref.load %arg4[%get3A_707, %get3A_708] : memref<1x1xf32, #tpu.memory_space<smem>>
    %reduce_sum3A_710 = vector.shape_cast %broadcast_in_dim3A_692 : vector<1x576xf32> to vector<1x1x576xf32>
    %reduce_sum3A_711 = arith.constant dense<0.000000e+00> : vector<1xf32>
    %reduce_sum3A_712 = vector.multi_reduction <add>, %reduce_sum3A_710, %reduce_sum3A_711 [1, 2] : vector<1x1x576xf32> to vector<1xf32>
    %reduce_sum3A_713 = vector.shape_cast %reduce_sum3A_712 : vector<1xf32> to vector<1x1x1xf32>
    %reduce_sum3A_714 = vector.extract %reduce_sum3A_713[0, 0, 0] : f32 from vector<1x1x1xf32>
    %add3A_715 = arith.addf %get3A_709, %reduce_sum3A_714 : f32
    %swap3A_716 = arith.constant 0 : index
    %swap3A_717 = arith.constant 0 : index
    %swap3A_718 = memref.load %arg4[%swap3A_716, %swap3A_717] : memref<1x1xf32, #tpu.memory_space<smem>>
    memref.store %add3A_715, %arg4[%swap3A_716, %swap3A_717] : memref<1x1xf32, #tpu.memory_space<smem>>
    return
  }
  func.func @transform_0(%arg0: i32) -> (i32, i32, i32) {
    %c0_i32 = arith.constant 0 : i32
    %c0_i32_0 = arith.constant 0 : i32
    %c0_i32_1 = arith.constant 0 : i32
    return %arg0, %c0_i32, %c0_i32_0 : i32, i32, i32
  }
  func.func @transform_1(%arg0: i32) -> (i32, i32) {
    %c0_i32 = arith.constant 0 : i32
    %c0_i32_0 = arith.constant 0 : i32
    %c0_i32_1 = arith.constant 0 : i32
    return %c0_i32, %c0_i32_0 : i32, i32
  }
  func.func @transform_2(%arg0: i32) -> (i32, i32) {
    %c0_i32 = arith.constant 0 : i32
    %c0_i32_0 = arith.constant 0 : i32
    return %arg0, %c0_i32 : i32, i32
  }
  func.func @transform_3(%arg0: i32) -> (i32, i32) {
    %c0_i32 = arith.constant 0 : i32
    %c0_i32_0 = arith.constant 0 : i32
    %c0_i32_1 = arith.constant 0 : i32
    return %c0_i32, %c0_i32_0 : i32, i32
  }
}

</mosaic_0001>

<sc_bundles>
// kernel: kernel.4.cloned.1.call-start
scs
__scs_entry_jumppad:
0x0: {  	(pc) =	sbr.rel $0x88, $3  }
0x1: {  	(tag) =	ssettag $0x0;
	lr =	simm.s32 $0x1  }
0x2: {  	[smem:$0x3F9E] =	sst lr;
	_ =	strace $0xD0000000  }
0x3: {  	_ = 	snop  }
0x4: {  	_ = 	snop  }
0x5: {  	_ = 	snop  }
0x6: {  	_ = 	snop  }
0x7: {  	_ = 	snop  }
__scs_overlays_trampoline_lowered:
0x8: {  	[smem:$0x3FAD] =	sst s0  }
0x9: {  	[smem:$0x3FAE] =	sst s1  }
0xa: {  	[smem:$0x3FAF] =	sst s2  }
0xb: {  	[smem:$0x3FB0] =	sst s3  }
0xc: {  	[smem:$0x3FB1] =	sst s4  }
0xd: {  	[smem:$0x3FB2] =	sst s5  }
0xe: {  	[smem:$0x3FB3] =	sst s6  }
0xf: {  	[smem:$0x3FB4] =	sst s7  }
0x10: {  	[smem:$0x3FB5] =	sst s8  }
0x11: {  	[smem:$0x3FB6] =	sst s9;
	s0 =	simm.s32 @!p0 $0x0  }
0x12: {  	s1 =	sld [smem:$0x3F9C];
	s0 =	simm.s32 @p0 $0x1  }
0x13: {  	[smem:$0x3FB7] =	sst s0;
	s0 =	simm.s32 @!p1 $0x0  }
0x14: {  	s2 =	sld [smem:$0x3F9B];
	s0 =	simm.s32 @p1 $0x1  }
0x15: {  	[smem:$0x3FB8] =	sst s0;
	s0 =	simm.s32 @!p2 $0x0  }
0x16: {  	s3 =	sld [smem:$0x3FDB];
	s0 =	simm.s32 @p2 $0x1  }
0x17: {  	s4 =	simm.s32 $0x1BF5;
	[smem:$0x3FBA] =	sst s0  }
0x18: {  	s0 =	sld [smem:$0x3F9D];
	_ =	swait.ge [sflag:s4], $0x0  }
0x19: {  	s7 =	sld [smem:$0x3F9E]  }
0x1a: {  	s8 =	sadd.s32 $0xFFFFE003, lr  }
0x1b: {  	s9 =	sadd.s32 $0xFFFFFEF7, lr;
	s5 =	simm.s32 $0xFFFFFFFF;
	p2 =	slt.u32 s8, $0xFFFFF086  }
0x1c: {  	p1 =	slt.u32 s9, $0xF7A;
	s5 =	simm.s32 @!p2 $0x0  }
0x1d: {  	s5 =	simm.s32 @p1 $0x1;
	p0 =	seq.s32 s7, s2  }
0x1e: {  	s7 =	smul.u32 @!p0 $0xF7A, s2;
	p2 =	seq.s32 @!p0 s5, $0x0  }
0x1f: {  	s9 =	smul.u32 $0xF7A, s1;
	s8 =	simm.s32 @!p0 $0x1BF5;
	p2 =	por !p2, p0  }
0x20: {  	[sflag:s8] =	ssyncset.s32 @!p0 $0xFFFFF086;
	s6 =	sadd.s32 @!p0 s3, s7;
	s7 =	simm.s32 @!p0 $0x108  }
0x21: {  	s3 =	sadd.s32 s3, s9;
	s6 =	sadd.s32 @!p0 $0x88, s6;
	s7 =	simm.s32 @p2 $0x1082  }
0x22: {  	[simem:s7], [sflag:s8] =	dma.local @!p0 [hbm:s6], $0xF7A  }
0x23: {  	s9 =	sor.u32 $0xD0000000, s2;
	s6 =	simm.s32 $0x108;
	_ =	swait.ge @!p0 [sflag:s8], $0x0  }
0x24: {  	s3 =	sadd.s32 $0x88, s3;
	s6 =	simm.s32 @!p1 $0x1082;
	[sflag:s4] =	ssyncset.s32 $0xFFFFF086  }
0x25: {  	[simem:s6], [sflag:s4] =	dma.local [hbm:s3], $0xF7A  }
0x26: {  	[smem:$0x3F9E] =	sst s1;
	(tag) =	ssettag s2;
	_ =	strace s9  }
0x27: {  	s1 =	sld [smem:$0x3FAE]  }
0x28: {  	s2 =	sld [smem:$0x3FAF]  }
0x29: {  	s4 =	sld [smem:$0x3FB1]  }
0x2a: {  	p0 =	seq.s32 s5, $0x0;
	s5 =	sld [smem:$0x3FB2]  }
0x2b: {  	s6 =	sld [smem:$0x3FB3]  }
0x2c: {  	s7 =	sld [smem:$0x3FB4]  }
0x2d: {  	s3 =	simm.s32 $0x108;
	s8 =	sld [smem:$0x3FB5]  }
0x2e: {  	s3 =	simm.s32 @!p0 $0x1082;
	s9 =	sld [smem:$0x3FB6]  }
0x2f: {  	lr =	sadd.s32 s0, s3;
	s0 =	sld [smem:$0x3FAD]  }
0x30: {  	s3 =	sld [smem:$0x3FB0]  }
0x31: {  	[smem:$0x3FB9] =	sst s10  }
0x32: {  	s10 =	sld [smem:$0x3FB7];
	_ =	sdelay $0x3  }
0x33: {  	p0 =	seq.s32 s10, $0x1;
	s10 =	sld [smem:$0x3FB9];
	_ =	sdelay $0x3  }
0x34: {  	[smem:$0x3FB9] =	sst s10  }
0x35: {  	s10 =	sld [smem:$0x3FB8];
	_ =	sdelay $0x3  }
0x36: {  	p1 =	seq.s32 s10, $0x1;
	s10 =	sld [smem:$0x3FB9];
	_ =	sdelay $0x3  }
0x37: {  	[smem:$0x3FB9] =	sst s10  }
0x38: {  	s10 =	sld [smem:$0x3FBA]  }
0x39: {  	_ = 	snop;
	(pc) =	sbr.ind lr, $3  }
0x3a: {  	_ = 	snop  }
0x3b: {  	_ = 	snop  }
0x3c: {  	p2 =	seq.s32 s10, $0x1;
	s10 =	sld [smem:$0x3FB9]  }
0x3d: {  	_ =	shalt  }
0x3e: {  	_ =	shalt  }
0x3f: {  	_ =	shalt  }
0x40: {  	_ =	shalt  }
0x41: {  	_ =	shalt  }
0x42: {  	_ =	shalt  }
0x43: {  	_ =	shalt  }
0x44: {  	_ =	shalt  }
0x45: {  	_ =	shalt  }
0x46: {  	_ =	shalt  }
0x47: {  	_ =	shalt  }
0x48: {  	_ =	shalt  }
0x49: {  	_ =	shalt  }
0x4a: {  	_ =	shalt  }
0x4b: {  	_ =	shalt  }
0x4c: {  	_ =	shalt  }
0x4d: {  	_ =	shalt  }
0x4e: {  	_ =	shalt  }
0x4f: {  	_ =	shalt  }
0x50: {  	_ =	shalt  }
0x51: {  	_ =	shalt  }
0x52: {  	_ =	shalt  }
0x53: {  	_ =	shalt  }
0x54: {  	_ =	shalt  }
0x55: {  	_ =	shalt  }
0x56: {  	_ =	shalt  }
0x57: {  	_ =	shalt  }
0x58: {  	_ =	shalt  }
0x59: {  	_ =	shalt  }
0x5a: {  	_ =	shalt  }
0x5b: {  	_ =	shalt  }
0x5c: {  	_ =	shalt  }
0x5d: {  	_ =	shalt  }
0x5e: {  	_ =	shalt  }
0x5f: {  	_ =	shalt  }
0x60: {  	_ =	shalt  }
0x61: {  	_ =	shalt  }
0x62: {  	_ =	shalt  }
0x63: {  	_ =	shalt  }
0x64: {  	_ =	shalt  }
0x65: {  	_ =	shalt  }
0x66: {  	_ =	shalt  }
0x67: {  	_ =	shalt  }
0x68: {  	_ =	shalt  }
0x69: {  	_ =	shalt  }
0x6a: {  	_ =	shalt  }
0x6b: {  	_ =	shalt  }
0x6c: {  	_ =	shalt  }
0x6d: {  	_ =	shalt  }
0x6e: {  	_ =	shalt  }
0x6f: {  	_ =	shalt  }
0x70: {  	_ =	shalt  }
0x71: {  	_ =	shalt  }
0x72: {  	_ =	shalt  }
0x73: {  	_ =	shalt  }
0x74: {  	_ =	shalt  }
0x75: {  	_ =	shalt  }
0x76: {  	_ =	shalt  }
0x77: {  	_ =	shalt  }
0x78: {  	_ =	shalt  }
0x79: {  	_ =	shalt  }
0x7a: {  	_ =	shalt  }
0x7b: {  	_ =	shalt  }
0x7c: {  	_ =	shalt  }
0x7d: {  	_ =	shalt  }
0x7e: {  	_ =	shalt  }
0x7f: {  	_ =	shalt  }
0x80: {  	_ =	shalt  }
0x81: {  	_ =	shalt  }
0x82: {  	_ =	shalt  }
0x83: {  	_ =	shalt  }
0x84: {  	_ =	shalt  }
0x85: {  	_ =	shalt  }
0x86: {  	_ =	shalt  }
0x87: {  	_ =	shalt  }
.Lfunc_end0:
.L_simem_size_0:
called_computation_lowered:
.L_overlay_start_0:
0x88: {  	s2 =	sld [smem:$0x3FD9]  }
0x89: {  	s3 =	sld [smem:$0x3FFE];
	_ =	sdelay $0x1  }
0x8a: {  	s1 =	srdreg.scid  }
0x8b: {  	s0 =	sand.u32 $0x1, s1  }
0x8c: {  	s14 =	sshll.u32 s0, $0xA;
	s2 =	sadd.s32 s3, s2  }
0x8d: {  	s2 =	sadd.s32 s2, s14  }
0x8e: {  	[smem:$0x3FC5] =	sst s2  }
0x8f: {  	_ = 	snop  }
0x90: {  	s2 =	sld [smem:$0x3FD0];
	_ =	sdelay $0x2  }
0x91: {  	s15 =	simm.s32 $0xA;
	s4 =	simm.s32 $0x10  }
0x92: {  	[smem:s4], [sflag:s15] =	dma.local [hbm:s2], $0x1  }
0x93: {  	_ =	swait.eq [sflag:s15], $0x1  }
0x94: {  	[sflag:s15] =	ssyncset.done $0x0  }
0x95: {  	s16 =	sld [smem:$0x10];
	[sflag:s15] =	ssyncadd.s32 $0xFFFFFFFF  }
0x96: {  	s17 =	sld [smem:$0x12];
	(tm) =	ssettm $0x1  }
0x97: {  	s18 =	sld [smem:$0x3FFB];
	_ =	sdelay $0x3  }
0x98: {  	_ =	strace s18  }
0x99: {  	s4 =	sld [smem:$0x3FFC];
	_ =	sdelay $0x3  }
0x9a: {  	_ =	strace s4  }
0x9b: {  	s4 =	sld [smem:$0x3FFD];
	_ =	sdelay $0x3  }
0x9c: {  	_ =	strace s4  }
0x9d: {  	_ =	strace $0x8FFFFFFF  }
0x9e: {  	s19 =	sld [smem:$0x3FDB];
	_ =	sdelay $0x1  }
0x9f: {  	s5 =	simm.s32 $_scs_section_size  }
0xa0: {  	s6 =	simm.s32 $_size__tile_overlayer_lowered;
	s7 =	simm.s32 $_tile_overlayer_lowered  }
0xa1: {  	s22 =	simm.s32 $0x1BFF;
	s21 =	sshll.u32 s7, $0x1;
	s4 =	sadd.s32 s5, s19  }
0xa2: {  	s8 =	simm.s32 $0x0;
	s20 =	sshll.u32 s6, $0x1;
	s6 =	sadd.s32 s21, s4  }
0xa3: {  	[timem:s8], [sflag:s22] =	dma.local [hbm:s6], s20  }
0xa4: {  	_ =	swait.ge [sflag:s22], s20  }
0xa5: {  	s5 =	ssub.s32 $0x0, s20;
	[sflag:s22] =	ssyncset.done $0x0  }
0xa6: {  	[sflag:s22] =	ssyncadd.s32 s5;
	_ =	sdelay $0x1  }
0xa7: {  	s23 =	simm.s32 $0x1B8B  }
0xa8: {  	_ =	swait.ge [sflag:s23], $0x1  }
0xa9: {  	[sflag:s23] =	ssyncset.done $0x0  }
0xaa: {  	s25 =	simm.s32 $0x1B8E;
	s24 =	sld [smem:$0x3FFE];
	[sflag:s23] =	ssyncadd.s32 $0xFFFFFFFF  }
0xab: {  	s26 =	simm.s32 $execute0_lowered;
	[smem:$0x3FD2] =	sst s25  }
0xac: {  	s6 =	sshll.u32 s26, $0x1;
	_ =	strace $0x80000046;
	[dreg:$0x1] =	wrdreg $0xFFFFFFFF  }
0xad: {  	s28 =	simm.s32 $_size_execute0_lowered;
	s4 =	sadd.s32 s4, s6;
	[dreg:$0x0] =	wrdreg $0x0  }
0xae: {  	s6 =	sshll.u32 s28, $0x1;
	[dreg:$0x2] =	wrdreg s4  }
0xaf: {  	[dreg:$0x3] =	wrdreg s6  }
0xb0: {  	[dreg:$0x4] =	wrdreg $0xC0  }
0xb1: {  	_ =	task [dreg:s8], $0x5FFFF  }
0xb2: {  	[dreg:$0x1] =	wrdreg $0xFFFFFFFF  }
0xb3: {  	[dreg:$0x0] =	wrdreg $0x60  }
0xb4: {  	[dreg:$0x2] =	wrdreg s24  }
0xb5: {  	[dreg:$0x3] =	wrdreg s17  }
0xb6: {  	[dreg:$0x4] =	wrdreg s16  }
0xb7: {  	[dreg:$0x5] =	wrdreg $0x9  }
0xb8: {  	_ =	task.clear_ibuf [dreg:s8], $0x6FFFF;
	_ =	strace $0x90000046  }
0xb9: {  	s29 =	simm.s32 $0x9;
	_ =	strace $0x80000048  }
0xba: {  	_ =	swait.ge [sflag:s29], $0x1  }
0xbb: {  	[sflag:s29] =	ssyncadd.s32 $0xFFFFFFFF  }
0xbc: {  	_ =	strace $0x90000048  }
0xbd: {  	_ =	sfence  }
0xbe: {  	s30 =	sld [smem:$0x0];
	_ =	sdelay $0x2  }
0xbf: {  	s31 =	sshll.u32 s1, $0xD;
	s1 =	sshrl.u32 s1, $0x2  }
0xc0: {  	s3 =	sand.u32 $0x4000, s31;
	s1 =	sadd.s32 s1, s30  }
0xc1: {  	s0 =	sor.u32 s3, s0;
	s1 =	sshll.u32 s1, $0x11  }
0xc2: {  	s0 =	sor.u32 s1, s0  }
0xc3: {  	s0 =	sadd.s32 $0x8F2B, s0  }
0xc4: {  	[sflag:s0] =	ssyncadd.remote.s32 $0x1  }
0xc5: {  	_ =	sfence.sel $0xFFFF  }
0xc6: {  	[dreg:$0x0] =	wrdreg $0xFFFFFFFF;
	(pc) =	sbr.abs _section_cstart, $3  }
0xc7: {  	[dreg:$0x1] =	wrdreg $0xFFFFFFFF  }
0xc8: {  	_ =	task.clear_ibuf [dreg:s8], $0x2FFFF;
	_ =	strace $0x9FFFFFFF  }
0xc9: {  	(tm) =	ssettm $0x7FFFFFFF  }
tec
execute0_lowered:
.L_overlay_start_1:
0x0: {  	(tag) =	ssettag $0x1  }
0x1: {  	s5 =	rddreg [dreg:$0x0]  }
0x2: {  	s1 =	srdreg.scid;
	s0 =	stileid.u32  }
0x3: {  	s3 =	rddreg [dreg:$0x1];
	s25 =	sand.u32 $0x1, s1;
	s31 =	sshll.u32 s0, $0x1  }
0x4: {  	s24 =	rddreg [dreg:$0x2];
	s26 =	sor.u32 s25, s31  }
0x5: {  	s2 =	simm.s32 $0x0;
	s1 =	rddreg [dreg:$0x3];
	s4 =	smul.u32 $0x90, s26  }
0x6: {  	[smem:$0x7FF] =	sst s2  }
0x7: {  	_ =	strace $0x80000047;
	s4 =	sadd.s32 s3, s4;
	s3 =	simm.s32 $0x2  }
0x8: {  	[tilespmem:s2], [sflag:$0x2] =	stream.linear.gather [hbm4b:s4+s2], $0x480, $0x38;
	[tilespmem:$0x12480] =	vst v63  }
0x9: {  	_ =	swait.ge [sflag:s3], $0x480  }
0xa: {  	s6 =	simm.s32 $0x80;
	[sflag:s3] =	ssyncset.done $0x0  }
0xb: {  	s7 =	simm.s32 $0x480;
	s5 =	sadd.s32 $0x800, s5;
	[sflag:s3] =	ssyncadd.s32 $0xFFFFFB80  }
0xc: {  	[tilespmem:s7], [sflag:$0x1] =	stream.indirect.gather [hbm4b:s5+s6], $0x40, s2, s6, $0xb8;
	[tilespmem:$0x12480] =	vst v63  }
0xd: {  	s8 =	simm.s32 $0x2480  }
0xe: {  	[tilespmem:s8], [sflag:$0x1] =	stream.indirect.gather [hbm4b:s5+s6], $0x40, s6, s6, $0xb8;
	[tilespmem:$0x12480] =	vst v63  }
0xf: {  	s9 =	simm.s32 $0x100;
	s10 =	simm.s32 $0x4480  }
0x10: {  	[tilespmem:s10], [sflag:$0x1] =	stream.indirect.gather [hbm4b:s5+s6], $0x40, s9, s6, $0xb8;
	[tilespmem:$0x12480] =	vst v63  }
0x11: {  	s11 =	simm.s32 $0x180;
	s12 =	simm.s32 $0x6480  }
0x12: {  	[tilespmem:s12], [sflag:$0x1] =	stream.indirect.gather [hbm4b:s5+s6], $0x40, s11, s6, $0xb8;
	[tilespmem:$0x12480] =	vst v63  }
0x13: {  	s13 =	simm.s32 $0x200;
	s14 =	simm.s32 $0x8480  }
0x14: {  	[tilespmem:s14], [sflag:$0x1] =	stream.indirect.gather [hbm4b:s5+s6], $0x40, s13, s6, $0xb8;
	[tilespmem:$0x12480] =	vst v63  }
0x15: {  	s15 =	simm.s32 $0x280;
	s16 =	simm.s32 $0xA480  }
0x16: {  	[tilespmem:s16], [sflag:$0x1] =	stream.indirect.gather [hbm4b:s5+s6], $0x40, s15, s6, $0xb8;
	[tilespmem:$0x12480] =	vst v63  }
0x17: {  	s17 =	simm.s32 $0x300;
	s18 =	simm.s32 $0xC480  }
0x18: {  	[tilespmem:s18], [sflag:$0x1] =	stream.indirect.gather [hbm4b:s5+s6], $0x40, s17, s6, $0xb8;
	[tilespmem:$0x12480] =	vst v63  }
0x19: {  	s19 =	simm.s32 $0x380;
	s20 =	simm.s32 $0xE480  }
0x1a: {  	[tilespmem:s20], [sflag:$0x1] =	stream.indirect.gather [hbm4b:s5+s6], $0x40, s19, s6, $0xb8;
	[tilespmem:$0x12480] =	vst v63  }
0x1b: {  	s21 =	simm.s32 $0x400;
	s22 =	simm.s32 $0x10480;
	s23 =	simm.s32 $0x1  }
0x1c: {  	[tilespmem:s22], [sflag:$0x1] =	stream.indirect.gather [hbm4b:s5+s6], $0x40, s21, s6, $0xb8;
	[tilespmem:$0x12480] =	vst v63  }
0x1d: {  	_ =	swait.ge [sflag:s23], $0x2000  }
0x1e: {  	[sflag:s23] =	ssyncset.done $0x0  }
0x1f: {  	[sflag:s23] =	ssyncadd.s32 $0xFFFFE000  }
0x20: {  	_ =	swait.ge [sflag:s23], $0x2000  }
0x21: {  	[sflag:s23] =	ssyncset.done $0x0  }
0x22: {  	[sflag:s23] =	ssyncadd.s32 $0xFFFFE000  }
0x23: {  	_ =	swait.ge [sflag:s23], $0x2000  }
0x24: {  	[sflag:s23] =	ssyncset.done $0x0  }
0x25: {  	[sflag:s23] =	ssyncadd.s32 $0xFFFFE000  }
0x26: {  	_ =	swait.ge [sflag:s23], $0x2000  }
0x27: {  	[sflag:s23] =	ssyncset.done $0x0  }
0x28: {  	[sflag:s23] =	ssyncadd.s32 $0xFFFFE000  }
0x29: {  	_ =	swait.ge [sflag:s23], $0x2000  }
0x2a: {  	[sflag:s23] =	ssyncset.done $0x0  }
0x2b: {  	[sflag:s23] =	ssyncadd.s32 $0xFFFFE000  }
0x2c: {  	_ =	swait.ge [sflag:s23], $0x2000  }
0x2d: {  	[sflag:s23] =	ssyncset.done $0x0  }
0x2e: {  	[sflag:s23] =	ssyncadd.s32 $0xFFFFE000  }
0x2f: {  	_ =	swait.ge [sflag:s23], $0x2000  }
0x30: {  	[sflag:s23] =	ssyncset.done $0x0  }
0x31: {  	s25 =	ssub.s32 $0x2, s25;
	[sflag:s23] =	ssyncadd.s32 $0xFFFFE000  }
0x32: {  	s28 =	sshrl.u32 s25, $0x1;
	_ =	swait.ge [sflag:s23], $0x2000  }
0x33: {  	s25 =	ssub.s32 s25, s28;
	[sflag:s23] =	ssyncset.done $0x0  }
0x34: {  	s25 =	smax.u32 s25, $0x1;
	[sflag:s23] =	ssyncadd.s32 $0xFFFFE000  }
0x35: {  	s26 =	smul.u32 $0x2400, s26;
	p0 =	sne.s32 s25, $0x1;
	_ =	swait.ge [sflag:s23], $0x2000  }
.Ltmp0:
0x36: {  	[sflag:s23] =	ssyncset.done $0x0;
	(pc) =	sbr.rel @!p0 .LBB2_2-.Ltmp0, $4  }
0x37: {  	s24 =	sadd.s32 s24, s26;
	[sflag:s23] =	ssyncadd.s32 $0xFFFFE000  }
0x38: {  	[hbm4b:s24+s2] =	stream.linear.scatter [tilespmem:s7], [sflag:$0x2], $0x12000, $0x38;
	[tilespmem:$0x12480] =	vst v63  }
0x39: {  	_ =	swait.ge [sflag:s3], $0x12000  }
0x3a: {  	s25 =	sadd.s32 $0xFFFFFFFF, s25;
	[sflag:s3] =	ssyncset.done $0x0  }
.LBB2_1:
0x3b: {  	p0 =	sne.s32 s25, $0x1;
	s25 =	sadd.s32 $0xFFFFFFFF, s25;
	[sflag:s3] =	ssyncadd.s32 $0xFFFEE000  }
0x3c: {  	[tilespmem:s2], [sflag:$0x2] =	stream.linear.gather [hbm4b:s4+s2], $0x480, $0x38;
	[tilespmem:$0x12480] =	vst v63  }
0x3d: {  	_ =	swait.ge [sflag:s3], $0x480  }
0x3e: {  	[sflag:s3] =	ssyncset.done $0x0  }
0x3f: {  	[sflag:s3] =	ssyncadd.s32 $0xFFFFFB80  }
0x40: {  	[tilespmem:s7], [sflag:$0x1] =	stream.indirect.gather [hbm4b:s5+s6], $0x40, s2, s6, $0xb8;
	[tilespmem:$0x12480] =	vst v63  }
0x41: {  	_ = 	snop  }
0x42: {  	[tilespmem:s8], [sflag:$0x1] =	stream.indirect.gather [hbm4b:s5+s6], $0x40, s6, s6, $0xb8;
	[tilespmem:$0x12480] =	vst v63  }
0x43: {  	_ = 	snop  }
0x44: {  	[tilespmem:s10], [sflag:$0x1] =	stream.indirect.gather [hbm4b:s5+s6], $0x40, s9, s6, $0xb8;
	[tilespmem:$0x12480] =	vst v63  }
0x45: {  	_ = 	snop  }
0x46: {  	[tilespmem:s12], [sflag:$0x1] =	stream.indirect.gather [hbm4b:s5+s6], $0x40, s11, s6, $0xb8;
	[tilespmem:$0x12480] =	vst v63  }
0x47: {  	_ = 	snop  }
0x48: {  	[tilespmem:s14], [sflag:$0x1] =	stream.indirect.gather [hbm4b:s5+s6], $0x40, s13, s6, $0xb8;
	[tilespmem:$0x12480] =	vst v63  }
0x49: {  	_ = 	snop  }
0x4a: {  	[tilespmem:s16], [sflag:$0x1] =	stream.indirect.gather [hbm4b:s5+s6], $0x40, s15, s6, $0xb8;
	[tilespmem:$0x12480] =	vst v63  }
0x4b: {  	_ = 	snop  }
0x4c: {  	[tilespmem:s18], [sflag:$0x1] =	stream.indirect.gather [hbm4b:s5+s6], $0x40, s17, s6, $0xb8;
	[tilespmem:$0x12480] =	vst v63  }
0x4d: {  	_ = 	snop  }
0x4e: {  	[tilespmem:s20], [sflag:$0x1] =	stream.indirect.gather [hbm4b:s5+s6], $0x40, s19, s6, $0xb8;
	[tilespmem:$0x12480] =	vst v63  }
0x4f: {  	_ = 	snop  }
0x50: {  	[tilespmem:s22], [sflag:$0x1] =	stream.indirect.gather [hbm4b:s5+s6], $0x40, s21, s6, $0xb8;
	[tilespmem:$0x12480] =	vst v63  }
0x51: {  	_ =	swait.ge [sflag:s23], $0x2000  }
0x52: {  	[sflag:s23] =	ssyncset.done $0x0  }
0x53: {  	[sflag:s23] =	ssyncadd.s32 $0xFFFFE000  }
0x54: {  	_ =	swait.ge [sflag:s23], $0x2000  }
0x55: {  	[sflag:s23] =	ssyncset.done $0x0  }
0x56: {  	[sflag:s23] =	ssyncadd.s32 $0xFFFFE000  }
0x57: {  	_ =	swait.ge [sflag:s23], $0x2000  }
0x58: {  	[sflag:s23] =	ssyncset.done $0x0  }
0x59: {  	[sflag:s23] =	ssyncadd.s32 $0xFFFFE000  }
0x5a: {  	_ =	swait.ge [sflag:s23], $0x2000  }
0x5b: {  	[sflag:s23] =	ssyncset.done $0x0  }
0x5c: {  	[sflag:s23] =	ssyncadd.s32 $0xFFFFE000  }
0x5d: {  	_ =	swait.ge [sflag:s23], $0x2000  }
0x5e: {  	[sflag:s23] =	ssyncset.done $0x0  }
0x5f: {  	[sflag:s23] =	ssyncadd.s32 $0xFFFFE000  }
0x60: {  	_ =	swait.ge [sflag:s23], $0x2000  }
0x61: {  	[sflag:s23] =	ssyncset.done $0x0  }
0x62: {  	[sflag:s23] =	ssyncadd.s32 $0xFFFFE000  }
0x63: {  	_ =	swait.ge [sflag:s23], $0x2000  }
0x64: {  	[sflag:s23] =	ssyncset.done $0x0  }
0x65: {  	[sflag:s23] =	ssyncadd.s32 $0xFFFFE000  }
0x66: {  	_ =	swait.ge [sflag:s23], $0x2000  }
0x67: {  	[sflag:s23] =	ssyncset.done $0x0  }
0x68: {  	[sflag:s23] =	ssyncadd.s32 $0xFFFFE000  }
0x69: {  	_ =	swait.ge [sflag:s23], $0x2000  }
.Ltmp1:
0x6a: {  	[sflag:s23] =	ssyncset.done $0x0;
	(pc) =	sbr.rel @p0 .LBB2_1-.Ltmp1, $4  }
0x6b: {  	[sflag:s23] =	ssyncadd.s32 $0xFFFFE000  }
0x6c: {  	[hbm4b:s24+s2] =	stream.linear.scatter [tilespmem:s7], [sflag:$0x2], $0x12000, $0x38;
	[tilespmem:$0x12480] =	vst v63  }
0x6d: {  	_ =	swait.ge [sflag:s3], $0x12000  }
0x6e: {  	[sflag:s3] =	ssyncset.done $0x0  }
.LBB2_2:
0x6f: {  	[sflag:s3] =	ssyncadd.s32 $0xFFFEE000  }
0x70: {  	_ =	sfence.sel $0x180000  }
0x71: {  	[bflag:$0x0] =	sbarrier.arrive $0xFFFF  }
0x72: {  	p0 =	sne.s32 s0, $0x0;
	_ =	strace $0x90000047  }
0x73: {  	s0 =	sadd.s32 @!p0 $0x100000, s1;
	[bflag:$0x2] =	sbarrier.arrive $0xFFFF  }
0x74: {  	[sflag:s0] =	ssyncadd.tile.s32 @!p0 $0x1;
	_ =	shalt  }
.Lfunc_end2:
_tile_overlayer_lowered:
.L_overlay_start_2:
0x75: {  	(tag) =	ssettag $0x2  }
0x76: {  	s0 =	rddreg [dreg:$0x0];
	s2 =	stileid.u32  }
0x77: {  	s1 =	rddreg [dreg:$0x1];
	p0 =	sne.s32 s2, $0x0  }
0x78: {  	s3 =	rddreg [dreg:$0x2];
	[bflag:$0x3] =	sbarrier.arrive $0xFFFF;
	s2 =	simm.s32 @!p0 $0x1C02  }
0x79: {  	[timem:s3], [sflag:s2] =	dma.local @!p0 [hbm:s0], s1  }
0x7a: {  	s0 =	simm.s32 @!p0 $0x2  }
0x7b: {  	_ =	swait.ge @!p0 [sflag:s0], s1  }
0x7c: {  	s1 =	ssub.s32 @!p0 $0x0, s1;
	[sflag:s0] =	ssyncset.done @!p0 $0x0  }
0x7d: {  	[sflag:s0] =	ssyncadd.s32 @!p0 s1  }
0x7e: {  	[bflag:$0x3] =	sbarrier.arrive $0xFFFF  }
0x7f: {  	_ =	shalt  }

</sc_bundles>
